<compile_context>
chip_gen: v7x
topology: tpu7x:2x2x1
jax: 0.10.2.dev20260603
libtpu: 0.0.44.dev20260713+nightly
codegen_flags: <defaults>
</compile_context>

<pallas_src>
import dataclasses

import jax
import jax.numpy as jnp
from jax import lax
from jax.experimental import pallas as pl
from jax.experimental.pallas import tpu as pltpu
from jax.experimental.pallas import tpu_sc as plsc

_B, _N, _D = 16384, 7, 256
_C = 64
_MR = 72
_NC, _NS, _L = 2, 16, 16
_NW = _NC * _NS
_RSC = 512
_BPW = _RSC // _NW
_TCBLK = 4096


def _table_body(rank_ref, suit_ref, card_ref, w_ref):
    row = lax.broadcasted_iota(jnp.int32, (_C, 1), 0)
    valid = row < 52
    oh_r = jnp.where(
        (row % 13 == lax.broadcasted_iota(jnp.int32, (_C, 16), 1)) & valid,
        1.0, 0.0)
    oh_s = jnp.where(
        (row // 13 == lax.broadcasted_iota(jnp.int32, (_C, 8), 1)) & valid,
        1.0, 0.0)
    rank_pad = jnp.concatenate(
        [rank_ref[...], jnp.zeros((3, _D), jnp.float32)], axis=0)
    suit_pad = jnp.concatenate(
        [suit_ref[...], jnp.zeros((4, _D), jnp.float32)], axis=0)
    card_pad = jnp.concatenate(
        [card_ref[...], jnp.zeros((12, _D), jnp.float32)], axis=0)
    t = (
        lax.dot_general(oh_r, rank_pad, (((1,), (0,)), ((), ())),
                        preferred_element_type=jnp.float32)
        + lax.dot_general(oh_s, suit_pad, (((1,), (0,)), ((), ())),
                          preferred_element_type=jnp.float32)
        + card_pad
    )
    return lax.dot_general(t, w_ref[...], (((1,), (1,)), ((), ())),
                           preferred_element_type=jnp.float32)


def _table_kernel(rank_ref, suit_ref, card_ref, w_ref, b_ref, m_ref):
    m = _table_body(rank_ref, suit_ref, card_ref, w_ref)
    m_ref[...] = jnp.concatenate(
        [m, b_ref[...], jnp.zeros((_MR - _C - 1, _D), jnp.float32)], axis=0)


def _build_table(rank_emb, suit_emb, card_emb, W, b):
    return pl.pallas_call(
        _table_kernel,
        out_shape=jax.ShapeDtypeStruct((_MR, _D), jnp.float32),
    )(rank_emb, suit_emb, card_emb, W, b.reshape(1, _D))


_DP2 = _D // 2


def _sc_body(cards_hbm, m_hbm, out_hbm, m_v, cards_v, out_v):
    c = lax.axis_index("c")
    s = lax.axis_index("s")
    wid = s * _NC + c
    pltpu.sync_copy(m_hbm, m_v)
    pltpu.sync_copy(cards_hbm.at[wid], cards_v)
    lane = lax.iota(jnp.int32, _L)

    pre = [cards_v[n, pl.ds(0, _L)] * _DP2 for n in range(_N + 1)]
    srow = lane * _D

    @plsc.parallel_loop(0, _DP2, unroll=4, carry=jnp.zeros((_L,), jnp.int32))
    def _col(d, dv):
        g0 = plsc.bitcast(plsc.load_gather(m_v, [pre[0] + dv]), jnp.bfloat16)
        g1 = plsc.bitcast(plsc.load_gather(m_v, [pre[1] + dv]), jnp.bfloat16)
        g2 = plsc.bitcast(plsc.load_gather(m_v, [pre[2] + dv]), jnp.bfloat16)
        g3 = plsc.bitcast(plsc.load_gather(m_v, [pre[3] + dv]), jnp.bfloat16)
        g4 = plsc.bitcast(plsc.load_gather(m_v, [pre[4] + dv]), jnp.bfloat16)
        g5 = plsc.bitcast(plsc.load_gather(m_v, [pre[5] + dv]), jnp.bfloat16)
        g6 = plsc.bitcast(plsc.load_gather(m_v, [pre[6] + dv]), jnp.bfloat16)
        g7 = plsc.bitcast(plsc.load_gather(m_v, [pre[7] + dv]), jnp.bfloat16)
        acc = ((g0 + g1) + (g2 + g3)) + ((g4 + g5) + (g6 + g7))
        acc = jnp.maximum(acc, jnp.bfloat16(0.0))
        lo, hi = plsc.unpack(acc, format=plsc.PackFormat.INTERLEAVED,
                             preferred_element_type=jnp.float32)
        dv2 = dv + dv
        plsc.store_scatter(out_v, [srow + dv2], lo)
        plsc.store_scatter(out_v, [srow + dv2 + 1], hi)
        return dv + 1

    pltpu.sync_copy(out_v, out_hbm.at[pl.ds(wid * _BPW * _D, _BPW * _D)])


def _sc_call(cards_sc, m_pad):
    mesh = plsc.VectorSubcoreMesh(core_axis_name="c", subcore_axis_name="s")
    cp = pltpu.CompilerParams()
    if "needs_layout_passes" in pltpu.CompilerParams.__dataclass_fields__:
        cp = dataclasses.replace(cp, needs_layout_passes=False)
    run = pl.kernel(
        _sc_body,
        mesh=mesh,
        compiler_params=cp,
        out_type=jax.ShapeDtypeStruct((_RSC * _D,), jnp.float32),
        scratch_types=[
            pltpu.VMEM((_MR * _DP2,), jnp.int32),
            pltpu.VMEM((_N + 1, _BPW), jnp.int32),
            pltpu.VMEM((_BPW * _D,), jnp.float32),
        ],
    )
    m_pack = lax.bitcast_convert_type(
        m_pad.astype(jnp.bfloat16).reshape(_MR, _DP2, 2), jnp.int32)
    return run(cards_sc, m_pack.reshape(-1))


def _tc_kernel(cards_ref, rank_ref, suit_ref, card_ref, w_ref, b_ref,
               out_ref, m_scr):
    @pl.when(pl.program_id(0) == 0)
    def _build():
        m_scr[...] = _table_body(rank_ref, suit_ref, card_ref,
                                 w_ref).astype(jnp.bfloat16)

    cards = cards_ref[...].astype(jnp.bfloat16)
    bins = lax.broadcasted_iota(jnp.int32, (_TCBLK, _C), 1).astype(jnp.bfloat16)
    counts = jnp.zeros((_TCBLK, _C), jnp.bfloat16)
    for n in range(_N):
        counts += jnp.where(cards[:, n:n + 1] == bins,
                            jnp.bfloat16(1.0), jnp.bfloat16(0.0))
    acc = lax.dot_general(
        counts, m_scr[...], (((1,), (0,)), ((), ())),
        preferred_element_type=jnp.float32)
    out_ref[...] = jnp.maximum(acc + b_ref[...], 0.0)


def _tc_call(cards_tc, rank_emb, suit_emb, card_emb, W, b):
    n_rows = cards_tc.shape[0]
    grid = (n_rows // _TCBLK,)
    return pl.pallas_call(
        _tc_kernel,
        grid=grid,
        in_specs=[
            pl.BlockSpec((_TCBLK, _N), lambda i: (i, 0)),
            pl.BlockSpec((13, _D), lambda i: (0, 0)),
            pl.BlockSpec((4, _D), lambda i: (0, 0)),
            pl.BlockSpec((52, _D), lambda i: (0, 0)),
            pl.BlockSpec((_D, _D), lambda i: (0, 0)),
            pl.BlockSpec((1, _D), lambda i: (0, 0)),
        ],
        out_specs=pl.BlockSpec((_TCBLK, _D), lambda i: (i, 0)),
        out_shape=jax.ShapeDtypeStruct((n_rows, _D), jnp.float32),
        scratch_shapes=[pltpu.VMEM((_C, _D), jnp.bfloat16)],
    )(cards_tc, rank_emb, suit_emb, card_emb, W, b.reshape(1, _D))


def kernel(cards, rank_emb, suit_emb, card_emb, W, b):
    tc_out = _tc_call(cards, rank_emb, suit_emb, card_emb, W, b)
    m_pad = _build_table(rank_emb, suit_emb, card_emb, W, b)
    cards_t = cards[:_RSC].reshape(_NW, _BPW, _N).transpose(0, 2, 1)
    bias_row = jnp.full((_NW, 1, _BPW), _C, jnp.int32)
    cards_sc = jnp.concatenate([cards_t, bias_row], axis=1)
    sc_out = _sc_call(cards_sc, m_pad).reshape(_RSC, _D)
    return lax.dynamic_update_slice(tc_out, sc_out, (0, 0))

# --- scband reference (transcript-rebuilt; emitter-appended) ---
"""Pipeline reference for scband-card-embedding-42932493091223 (READ-ONLY COPY).

The authoritative reference and input builder live on the scoring server;
editing this copy changes nothing except your own understanding.
"""

import jax, jax.numpy as jnp
import numpy as np

B, N, D = 16384, 7, 256

def setup_inputs(seed: int = 0) -> dict:
    key = jax.random.key(seed)
    ks = jax.random.split(key, 6)
    cards = jax.random.randint(ks[0], (B, N), 0, 52, dtype=jnp.int32)
    rank_emb = jax.random.normal(ks[1], (13, D), dtype=jnp.float32) * 0.05
    suit_emb = jax.random.normal(ks[2], (4, D), dtype=jnp.float32) * 0.05
    card_emb = jax.random.normal(ks[3], (52, D), dtype=jnp.float32) * 0.05
    W = jax.random.normal(ks[4], (D, D), dtype=jnp.float32) * (1.0 / np.sqrt(D))
    b = jax.random.normal(ks[5], (D,), dtype=jnp.float32) * 0.01
    return {"cards": cards, "rank_emb": rank_emb, "suit_emb": suit_emb, "card_emb": card_emb, "W": W, "b": b}

def reference(cards, rank_emb, suit_emb, card_emb, W, b):
    valid = (cards >= 0).astype(jnp.float32)
    ranks = cards % 13
    suits = cards // 13
    rank_e = jnp.take(rank_emb, ranks, axis=0)
    suit_e = jnp.take(suit_emb, suits, axis=0)
    card_e = jnp.take(card_emb, jnp.clip(cards, 0, None), axis=0)
    per_card = (rank_e + suit_e + card_e) * valid[..., None]
    summed = per_card.sum(axis=1)
    out = jax.nn.relu(summed @ W.T + b)
    return out

if __name__ == "__main__":
    import jax
    _d = setup_inputs()
    print(jax.jit(kernel)(*tuple(_d.values())))

</pallas_src>

<mosaic_0001>
#map = affine_map<(d0, d1) -> (0, 0, 0)>
#map1 = affine_map<(d0, d1) -> (0)>
module attributes {stable_mosaic.version = 14 : i64} {
  func.func @_sc_body(%arg0: i32, %arg1: i32, %arg2: memref<32x8x16xi32, #tpu.memory_space<hbm>>, %arg3: memref<9216xi32, #tpu.memory_space<hbm>>, %arg4: memref<131072xf32, #tpu.memory_space<hbm>>, %arg5: memref<9216xi32, #tpu.memory_space<vmem>>, %arg6: memref<8x16xi32, #tpu.memory_space<vmem>>, %arg7: memref<4096xf32, #tpu.memory_space<vmem>>) attributes {dimension_semantics = [#tpu.dimension_semantics<core_parallel>, #tpu.dimension_semantics<subcore_parallel>], iteration_bounds = array<i64: 2, 16>, scalar_prefetch = 0 : i64, scratch_operands = 3 : i64, tpu.core_type = #tpu.core_type<sc_vector_subcore>, window_params = [{transform_indices = #map}, {transform_indices = #map1}, {transform_indices = #map1}]} {
    %mul3A = arith.constant 2 : i32
    %mul3A_0 = arith.muli %arg1, %mul3A : i32
    %add3A = arith.addi %mul3A_0, %arg0 : i32
    "tpu.region"() ({
      %run_scoped3A = tpu.sem_alloc : memref<!tpu.dma_semaphore, #tpu.memory_space<semaphore_mem>>
      tpu.enqueue_dma source(%arg3 : memref<9216xi32, #tpu.memory_space<hbm>>) target(%arg5 : memref<9216xi32, #tpu.memory_space<vmem>>) target_semaphore(%run_scoped3A : memref<!tpu.dma_semaphore, #tpu.memory_space<semaphore_mem>>)
      tpu.wait_dma2 semaphore(%run_scoped3A : memref<!tpu.dma_semaphore, #tpu.memory_space<semaphore_mem>>) src(%arg3 : memref<9216xi32, #tpu.memory_space<hbm>>) dst(%arg5 : memref<9216xi32, #tpu.memory_space<vmem>>)
      tpu.yield
    }) : () -> ()
    "tpu.region"() ({
      %run_scoped3A = tpu.sem_alloc : memref<!tpu.dma_semaphore, #tpu.memory_space<semaphore_mem>>
      %dma_start3A = arith.constant 0 : i32
      %dma_start3A_67 = arith.constant 0 : i32
      %dma_start3A_68 = tpu.memref_slice %arg2[%add3A, %dma_start3A, %dma_start3A_67] : memref<32x8x16xi32, #tpu.memory_space<hbm>> -> memref<1x8x16xi32, #tpu.memory_space<hbm>>
      %dma_start3A_69 = tpu.memref_squeeze %dma_start3A_68 : memref<1x8x16xi32, #tpu.memory_space<hbm>> -> memref<8x16xi32, #tpu.memory_space<hbm>>
      %dma_start3A_70 = arith.constant 0 : i32
      %dma_start3A_71 = arith.constant 0 : i32
      %dma_start3A_72 = tpu.memref_slice %arg2[%add3A, %dma_start3A_70, %dma_start3A_71] : memref<32x8x16xi32, #tpu.memory_space<hbm>> -> memref<1x8x16xi32, #tpu.memory_space<hbm>>
      %dma_start3A_73 = tpu.memref_squeeze %dma_start3A_72 : memref<1x8x16xi32, #tpu.memory_space<hbm>> -> memref<8x16xi32, #tpu.memory_space<hbm>>
      tpu.enqueue_dma source(%dma_start3A_73 : memref<8x16xi32, #tpu.memory_space<hbm>>) target(%arg6 : memref<8x16xi32, #tpu.memory_space<vmem>>) target_semaphore(%run_scoped3A : memref<!tpu.dma_semaphore, #tpu.memory_space<semaphore_mem>>)
      %dma_wait3A = arith.constant 0 : i32
      %dma_wait3A_74 = arith.constant 0 : i32
      %dma_wait3A_75 = tpu.memref_slice %arg2[%add3A, %dma_wait3A, %dma_wait3A_74] : memref<32x8x16xi32, #tpu.memory_space<hbm>> -> memref<1x8x16xi32, #tpu.memory_space<hbm>>
      %dma_wait3A_76 = tpu.memref_squeeze %dma_wait3A_75 : memref<1x8x16xi32, #tpu.memory_space<hbm>> -> memref<8x16xi32, #tpu.memory_space<hbm>>
      %dma_wait3A_77 = arith.constant 0 : i32
      %dma_wait3A_78 = arith.constant 0 : i32
      %dma_wait3A_79 = tpu.memref_slice %arg2[%add3A, %dma_wait3A_77, %dma_wait3A_78] : memref<32x8x16xi32, #tpu.memory_space<hbm>> -> memref<1x8x16xi32, #tpu.memory_space<hbm>>
      %dma_wait3A_80 = tpu.memref_squeeze %dma_wait3A_79 : memref<1x8x16xi32, #tpu.memory_space<hbm>> -> memref<8x16xi32, #tpu.memory_space<hbm>>
      tpu.wait_dma2 semaphore(%run_scoped3A : memref<!tpu.dma_semaphore, #tpu.memory_space<semaphore_mem>>) src(%dma_wait3A_80 : memref<8x16xi32, #tpu.memory_space<hbm>>) dst(%arg6 : memref<8x16xi32, #tpu.memory_space<vmem>>)
      tpu.yield
    }) : () -> ()
    %iota3A = tpu.iota {dimensions = array<i32: 0>} : vector<16xi32>
    %get3A = arith.constant 0 : i32
    %get3A_1 = arith.index_cast %get3A : i32 to index
    %get3A_2 = arith.constant 0 : index
    %get3A_3 = tpu.vector_load %arg6[%get3A_1, %get3A_2] {strides = array<i32>} : memref<8x16xi32, #tpu.memory_space<vmem>>, vector<16xi32>,
    %mul3A_4 = arith.constant 128 : i32
    %mul3A_5 = vector.broadcast %mul3A_4 : i32 to vector<16xi32>
    %mul3A_6 = arith.muli %get3A_3, %mul3A_5 : vector<16xi32>
    %get3A_7 = arith.constant 1 : i32
    %get3A_8 = arith.index_cast %get3A_7 : i32 to index
    %get3A_9 = arith.constant 0 : index
    %get3A_10 = tpu.vector_load %arg6[%get3A_8, %get3A_9] {strides = array<i32>} : memref<8x16xi32, #tpu.memory_space<vmem>>, vector<16xi32>,
    %mul3A_11 = arith.constant 128 : i32
    %mul3A_12 = vector.broadcast %mul3A_11 : i32 to vector<16xi32>
    %mul3A_13 = arith.muli %get3A_10, %mul3A_12 : vector<16xi32>
    %get3A_14 = arith.constant 2 : i32
    %get3A_15 = arith.index_cast %get3A_14 : i32 to index
    %get3A_16 = arith.constant 0 : index
    %get3A_17 = tpu.vector_load %arg6[%get3A_15, %get3A_16] {strides = array<i32>} : memref<8x16xi32, #tpu.memory_space<vmem>>, vector<16xi32>,
    %mul3A_18 = arith.constant 128 : i32
    %mul3A_19 = vector.broadcast %mul3A_18 : i32 to vector<16xi32>
    %mul3A_20 = arith.muli %get3A_17, %mul3A_19 : vector<16xi32>
    %get3A_21 = arith.constant 3 : i32
    %get3A_22 = arith.index_cast %get3A_21 : i32 to index
    %get3A_23 = arith.constant 0 : index
    %get3A_24 = tpu.vector_load %arg6[%get3A_22, %get3A_23] {strides = array<i32>} : memref<8x16xi32, #tpu.memory_space<vmem>>, vector<16xi32>,
    %mul3A_25 = arith.constant 128 : i32
    %mul3A_26 = vector.broadcast %mul3A_25 : i32 to vector<16xi32>
    %mul3A_27 = arith.muli %get3A_24, %mul3A_26 : vector<16xi32>
    %get3A_28 = arith.constant 4 : i32
    %get3A_29 = arith.index_cast %get3A_28 : i32 to index
    %get3A_30 = arith.constant 0 : index
    %get3A_31 = tpu.vector_load %arg6[%get3A_29, %get3A_30] {strides = array<i32>} : memref<8x16xi32, #tpu.memory_space<vmem>>, vector<16xi32>,
    %mul3A_32 = arith.constant 128 : i32
    %mul3A_33 = vector.broadcast %mul3A_32 : i32 to vector<16xi32>
    %mul3A_34 = arith.muli %get3A_31, %mul3A_33 : vector<16xi32>
    %get3A_35 = arith.constant 5 : i32
    %get3A_36 = arith.index_cast %get3A_35 : i32 to index
    %get3A_37 = arith.constant 0 : index
    %get3A_38 = tpu.vector_load %arg6[%get3A_36, %get3A_37] {strides = array<i32>} : memref<8x16xi32, #tpu.memory_space<vmem>>, vector<16xi32>,
    %mul3A_39 = arith.constant 128 : i32
    %mul3A_40 = vector.broadcast %mul3A_39 : i32 to vector<16xi32>
    %mul3A_41 = arith.muli %get3A_38, %mul3A_40 : vector<16xi32>
    %get3A_42 = arith.constant 6 : i32
    %get3A_43 = arith.index_cast %get3A_42 : i32 to index
    %get3A_44 = arith.constant 0 : index
    %get3A_45 = tpu.vector_load %arg6[%get3A_43, %get3A_44] {strides = array<i32>} : memref<8x16xi32, #tpu.memory_space<vmem>>, vector<16xi32>,
    %mul3A_46 = arith.constant 128 : i32
    %mul3A_47 = vector.broadcast %mul3A_46 : i32 to vector<16xi32>
    %mul3A_48 = arith.muli %get3A_45, %mul3A_47 : vector<16xi32>
    %get3A_49 = arith.constant 7 : i32
    %get3A_50 = arith.index_cast %get3A_49 : i32 to index
    %get3A_51 = arith.constant 0 : index
    %get3A_52 = tpu.vector_load %arg6[%get3A_50, %get3A_51] {strides = array<i32>} : memref<8x16xi32, #tpu.memory_space<vmem>>, vector<16xi32>,
    %mul3A_53 = arith.constant 128 : i32
    %mul3A_54 = vector.broadcast %mul3A_53 : i32 to vector<16xi32>
    %mul3A_55 = arith.muli %get3A_52, %mul3A_54 : vector<16xi32>
    %mul3A_56 = arith.constant 256 : i32
    %mul3A_57 = vector.broadcast %mul3A_56 : i32 to vector<16xi32>
    %mul3A_58 = arith.muli %iota3A, %mul3A_57 : vector<16xi32>
    %broadcast_in_dim3A = arith.constant 0 : i32
    %broadcast_in_dim3A_59 = vector.broadcast %broadcast_in_dim3A : i32 to vector<16xi32>
    %parallel_loop3A = arith.constant 0 : i32
    %parallel_loop3A_60 = arith.constant 128 : i32
    %parallel_loop3A_61 = arith.constant 1 : i32
    %parallel_loop3A_62 = scf.for %parallel_loop3A_67 = %parallel_loop3A to %parallel_loop3A_60 step %parallel_loop3A_61 iter_args(%parallel_loop3A_68 = %broadcast_in_dim3A_59) -> (vector<16xi32>)  : i32 {
      %parallel_loop3A_69 = arith.addi %mul3A_6, %parallel_loop3A_68 : vector<16xi32>
      %parallel_loop3A_70 = tpu.vector_load_idx %arg5[%parallel_loop3A_69] : memref<9216xi32, #tpu.memory_space<vmem>>[vector<16xi32>], vector<16xi32>,
      %parallel_loop3A_71 = vector.bitcast %parallel_loop3A_70 : vector<16xi32> to vector<32xbf16>
      %parallel_loop3A_72 = arith.addi %mul3A_13, %parallel_loop3A_68 : vector<16xi32>
      %parallel_loop3A_73 = tpu.vector_load_idx %arg5[%parallel_loop3A_72] : memref<9216xi32, #tpu.memory_space<vmem>>[vector<16xi32>], vector<16xi32>,
      %parallel_loop3A_74 = vector.bitcast %parallel_loop3A_73 : vector<16xi32> to vector<32xbf16>
      %parallel_loop3A_75 = arith.addi %mul3A_20, %parallel_loop3A_68 : vector<16xi32>
      %parallel_loop3A_76 = tpu.vector_load_idx %arg5[%parallel_loop3A_75] : memref<9216xi32, #tpu.memory_space<vmem>>[vector<16xi32>], vector<16xi32>,
      %parallel_loop3A_77 = vector.bitcast %parallel_loop3A_76 : vector<16xi32> to vector<32xbf16>
      %parallel_loop3A_78 = arith.addi %mul3A_27, %parallel_loop3A_68 : vector<16xi32>
      %parallel_loop3A_79 = tpu.vector_load_idx %arg5[%parallel_loop3A_78] : memref<9216xi32, #tpu.memory_space<vmem>>[vector<16xi32>], vector<16xi32>,
      %parallel_loop3A_80 = vector.bitcast %parallel_loop3A_79 : vector<16xi32> to vector<32xbf16>
      %parallel_loop3A_81 = arith.addi %mul3A_34, %parallel_loop3A_68 : vector<16xi32>
      %parallel_loop3A_82 = tpu.vector_load_idx %arg5[%parallel_loop3A_81] : memref<9216xi32, #tpu.memory_space<vmem>>[vector<16xi32>], vector<16xi32>,
      %parallel_loop3A_83 = vector.bitcast %parallel_loop3A_82 : vector<16xi32> to vector<32xbf16>
      %parallel_loop3A_84 = arith.addi %mul3A_41, %parallel_loop3A_68 : vector<16xi32>
      %parallel_loop3A_85 = tpu.vector_load_idx %arg5[%parallel_loop3A_84] : memref<9216xi32, #tpu.memory_space<vmem>>[vector<16xi32>], vector<16xi32>,
      %parallel_loop3A_86 = vector.bitcast %parallel_loop3A_85 : vector<16xi32> to vector<32xbf16>
      %parallel_loop3A_87 = arith.addi %mul3A_48, %parallel_loop3A_68 : vector<16xi32>
      %parallel_loop3A_88 = tpu.vector_load_idx %arg5[%parallel_loop3A_87] : memref<9216xi32, #tpu.memory_space<vmem>>[vector<16xi32>], vector<16xi32>,
      %parallel_loop3A_89 = vector.bitcast %parallel_loop3A_88 : vector<16xi32> to vector<32xbf16>
      %parallel_loop3A_90 = arith.addi %mul3A_55, %parallel_loop3A_68 : vector<16xi32>
      %parallel_loop3A_91 = tpu.vector_load_idx %arg5[%parallel_loop3A_90] : memref<9216xi32, #tpu.memory_space<vmem>>[vector<16xi32>], vector<16xi32>,
      %parallel_loop3A_92 = vector.bitcast %parallel_loop3A_91 : vector<16xi32> to vector<32xbf16>
      %parallel_loop3A_93 = arith.addf %parallel_loop3A_71, %parallel_loop3A_74 : vector<32xbf16>
      %parallel_loop3A_94 = arith.addf %parallel_loop3A_77, %parallel_loop3A_80 : vector<32xbf16>
      %parallel_loop3A_95 = arith.addf %parallel_loop3A_93, %parallel_loop3A_94 : vector<32xbf16>
      %parallel_loop3A_96 = arith.addf %parallel_loop3A_83, %parallel_loop3A_86 : vector<32xbf16>
      %parallel_loop3A_97 = arith.addf %parallel_loop3A_89, %parallel_loop3A_92 : vector<32xbf16>
      %parallel_loop3A_98 = arith.addf %parallel_loop3A_96, %parallel_loop3A_97 : vector<32xbf16>
      %parallel_loop3A_99 = arith.addf %parallel_loop3A_95, %parallel_loop3A_98 : vector<32xbf16>
      %parallel_loop3A_100 = arith.constant 0.000000e+00 : bf16
      %parallel_loop3A_101 = vector.broadcast %parallel_loop3A_100 : bf16 to vector<32xbf16>
      %parallel_loop3A_102 = arith.maximumf %parallel_loop3A_99, %parallel_loop3A_101 : vector<32xbf16>
      %parallel_loop3A_103 = tpu.unpack_subelements %parallel_loop3A_102, 0 {pack_format = #tpu.pack_format<interleaved>} : vector<32xbf16> -> vector<16xf32>
      %parallel_loop3A_104 = tpu.unpack_subelements %parallel_loop3A_102, 1 {pack_format = #tpu.pack_format<interleaved>} : vector<32xbf16> -> vector<16xf32>
      %parallel_loop3A_105 = arith.addi %parallel_loop3A_68, %parallel_loop3A_68 : vector<16xi32>
      %parallel_loop3A_106 = arith.addi %mul3A_58, %parallel_loop3A_105 : vector<16xi32>
      tpu.vector_store_idx %arg7[%parallel_loop3A_106], %parallel_loop3A_103 : memref<4096xf32, #tpu.memory_space<vmem>>[vector<16xi32>], vector<16xf32>,
      %parallel_loop3A_107 = arith.addi %mul3A_58, %parallel_loop3A_105 : vector<16xi32>
      %parallel_loop3A_108 = arith.constant 1 : i32
      %parallel_loop3A_109 = vector.broadcast %parallel_loop3A_108 : i32 to vector<16xi32>
      %parallel_loop3A_110 = arith.addi %parallel_loop3A_107, %parallel_loop3A_109 : vector<16xi32>
      tpu.vector_store_idx %arg7[%parallel_loop3A_110], %parallel_loop3A_104 : memref<4096xf32, #tpu.memory_space<vmem>>[vector<16xi32>], vector<16xf32>,
      %parallel_loop3A_111 = arith.constant 1 : i32
      %parallel_loop3A_112 = vector.broadcast %parallel_loop3A_111 : i32 to vector<16xi32>
      %parallel_loop3A_113 = arith.addi %parallel_loop3A_68, %parallel_loop3A_112 : vector<16xi32>
      scf.yield %parallel_loop3A_113 : vector<16xi32>
    } {sc.loop_unroll_factor = 4 : i64, sc.parallel_access}
    %mul3A_63 = arith.constant 16 : i32
    %mul3A_64 = arith.muli %add3A, %mul3A_63 : i32
    %mul3A_65 = arith.constant 256 : i32
    %mul3A_66 = arith.muli %mul3A_64, %mul3A_65 : i32
    "tpu.region"() ({
      %run_scoped3A = tpu.sem_alloc : memref<!tpu.dma_semaphore, #tpu.memory_space<semaphore_mem>>
      %dma_start3A = tpu.memref_slice %arg4[%mul3A_66] : memref<131072xf32, #tpu.memory_space<hbm>> -> memref<4096xf32, #tpu.memory_space<hbm>>
      %dma_start3A_67 = tpu.memref_slice %arg4[%mul3A_66] : memref<131072xf32, #tpu.memory_space<hbm>> -> memref<4096xf32, #tpu.memory_space<hbm>>
      tpu.enqueue_dma source(%arg7 : memref<4096xf32, #tpu.memory_space<vmem>>) target(%dma_start3A_67 : memref<4096xf32, #tpu.memory_space<hbm>>) target_semaphore(%run_scoped3A : memref<!tpu.dma_semaphore, #tpu.memory_space<semaphore_mem>>)
      %dma_wait3A = tpu.memref_slice %arg4[%mul3A_66] : memref<131072xf32, #tpu.memory_space<hbm>> -> memref<4096xf32, #tpu.memory_space<hbm>>
      %dma_wait3A_68 = tpu.memref_slice %arg4[%mul3A_66] : memref<131072xf32, #tpu.memory_space<hbm>> -> memref<4096xf32, #tpu.memory_space<hbm>>
      tpu.wait_dma2 semaphore(%run_scoped3A : memref<!tpu.dma_semaphore, #tpu.memory_space<semaphore_mem>>) src(%arg7 : memref<4096xf32, #tpu.memory_space<vmem>>) dst(%dma_wait3A_68 : memref<4096xf32, #tpu.memory_space<hbm>>)
      tpu.yield
    }) : () -> ()
    return
  }
}

module attributes {stable_mosaic.version = 14 : i64} {
  func.func @_table_kernel(%arg0: memref<13x256xf32, #tpu.memory_space<vmem>>, %arg1: memref<4x256xf32, #tpu.memory_space<vmem>>, %arg2: memref<52x256xf32, #tpu.memory_space<vmem>>, %arg3: memref<256x256xf32, #tpu.memory_space<vmem>>, %arg4: memref<1x256xf32, #tpu.memory_space<vmem>>, %arg5: memref<72x256xf32, #tpu.memory_space<vmem>>) attributes {dimension_semantics = [], scalar_prefetch = 0 : i64, scratch_operands = 0 : i64, tpu.core_type = #tpu.core_type<tc>} {
    %iota3A = tpu.iota {dimensions = array<i32: 0>} : vector<64x1xi32>
    %lt3A = arith.constant 52 : i32
    %lt3A_0 = vector.broadcast %lt3A : i32 to vector<64x1xi32>
    %lt3A_1 = arith.cmpi slt, %iota3A, %lt3A_0 : vector<64x1xi32>
    %jit3A = arith.constant 13 : i32
    %eq3A = arith.constant 0 : i32
    %eq3A_2 = arith.cmpi eq, %jit3A, %eq3A : i32
    %jit3A_3 = arith.constant 1 : i32
    %select_n3A = arith.select %eq3A_2, %jit3A_3, %jit3A : i32
    %rem3A = vector.broadcast %select_n3A : i32 to vector<64x1xi32>
    %rem3A_4 = arith.remsi %iota3A, %rem3A : vector<64x1xi32>
    %ne3A = arith.constant 0 : i32
    %ne3A_5 = vector.broadcast %ne3A : i32 to vector<64x1xi32>
    %ne3A_6 = arith.cmpi ne, %rem3A_4, %ne3A_5 : vector<64x1xi32>
    %lt3A_7 = arith.constant 0 : i32
    %lt3A_8 = vector.broadcast %lt3A_7 : i32 to vector<64x1xi32>
    %lt3A_9 = arith.cmpi slt, %rem3A_4, %lt3A_8 : vector<64x1xi32>
    %lt3A_10 = arith.constant 0 : i32
    %lt3A_11 = arith.cmpi slt, %select_n3A, %lt3A_10 : i32
    %ne3A_12 = vector.broadcast %lt3A_11 : i1 to vector<64x1xi1>
    %ne3A_13 = vector.broadcast %ne3A_12 : vector<64x1xi1> to vector<64x1xi1>
    %ne3A_14 = arith.xori %lt3A_9, %ne3A_13 : vector<64x1xi1>
    %and3A = arith.andi %ne3A_14, %ne3A_6 : vector<64x1xi1>
    %add3A = vector.broadcast %select_n3A : i32 to vector<64x1xi32>
    %add3A_15 = arith.addi %rem3A_4, %add3A : vector<64x1xi32>
    %select_n3A_16 = arith.select %and3A, %add3A_15, %rem3A_4 : vector<64x1xi1>, vector<64x1xi32>
    %iota3A_17 = tpu.iota {dimensions = array<i32: 1>} : vector<64x16xi32>
    %eq3A_18 = vector.broadcast %select_n3A_16 : vector<64x1xi32> to vector<64x16xi32>
    %eq3A_19 = arith.cmpi eq, %eq3A_18, %iota3A_17 : vector<64x16xi32>
    %and3A_20 = vector.broadcast %lt3A_1 : vector<64x1xi1> to vector<64x16xi1>
    %and3A_21 = arith.andi %eq3A_19, %and3A_20 : vector<64x16xi1>
    %jit3A_22 = arith.constant 1.000000e+00 : f32
    %jit3A_23 = arith.constant 0.000000e+00 : f32
    %broadcast_in_dim3A = vector.broadcast %jit3A_22 : f32 to vector<64x16xf32>
    %broadcast_in_dim3A_24 = vector.broadcast %jit3A_23 : f32 to vector<64x16xf32>
    %select_n3A_25 = arith.select %and3A_21, %broadcast_in_dim3A, %broadcast_in_dim3A_24 : vector<64x16xi1>, vector<64x16xf32>
    %jit3A_26 = arith.constant 13 : i32
    %div3A = vector.broadcast %jit3A_26 : i32 to vector<64x1xi32>
    %div3A_27 = arith.divsi %iota3A, %div3A : vector<64x1xi32>
    %sign3A = arith.constant 0 : i32
    %sign3A_28 = vector.broadcast %sign3A : i32 to vector<64x1xi32>
    %sign3A_29 = arith.cmpi sgt, %iota3A, %sign3A_28 : vector<64x1xi32>
    %sign3A_30 = arith.extui %sign3A_29 : vector<64x1xi1> to vector<64x1xi32>
    %sign3A_31 = arith.constant 0 : i32
    %sign3A_32 = vector.broadcast %sign3A_31 : i32 to vector<64x1xi32>
    %sign3A_33 = arith.cmpi slt, %iota3A, %sign3A_32 : vector<64x1xi32>
    %sign3A_34 = arith.extui %sign3A_33 : vector<64x1xi1> to vector<64x1xi32>
    %sign3A_35 = arith.subi %sign3A_30, %sign3A_34 : vector<64x1xi32>
    %sign3A_36 = arith.constant 0 : i32
    %sign3A_37 = arith.cmpi sgt, %jit3A_26, %sign3A_36 : i32
    %sign3A_38 = arith.extui %sign3A_37 : i1 to i32
    %sign3A_39 = arith.constant 0 : i32
    %sign3A_40 = arith.cmpi slt, %jit3A_26, %sign3A_39 : i32
    %sign3A_41 = arith.extui %sign3A_40 : i1 to i32
    %sign3A_42 = arith.subi %sign3A_38, %sign3A_41 : i32
    %ne3A_43 = vector.broadcast %sign3A_42 : i32 to vector<64x1xi32>
    %ne3A_44 = arith.cmpi ne, %sign3A_35, %ne3A_43 : vector<64x1xi32>
    %rem3A_45 = vector.broadcast %jit3A_26 : i32 to vector<64x1xi32>
    %rem3A_46 = arith.remsi %iota3A, %rem3A_45 : vector<64x1xi32>
    %ne3A_47 = arith.constant 0 : i32
    %ne3A_48 = vector.broadcast %ne3A_47 : i32 to vector<64x1xi32>
    %ne3A_49 = arith.cmpi ne, %rem3A_46, %ne3A_48 : vector<64x1xi32>
    %and3A_50 = arith.andi %ne3A_44, %ne3A_49 : vector<64x1xi1>
    %sub3A = arith.constant 1 : i32
    %sub3A_51 = vector.broadcast %sub3A : i32 to vector<64x1xi32>
    %sub3A_52 = arith.subi %div3A_27, %sub3A_51 : vector<64x1xi32>
    %select_n3A_53 = arith.select %and3A_50, %sub3A_52, %div3A_27 : vector<64x1xi1>, vector<64x1xi32>
    %iota3A_54 = tpu.iota {dimensions = array<i32: 1>} : vector<64x8xi32>
    %eq3A_55 = vector.broadcast %select_n3A_53 : vector<64x1xi32> to vector<64x8xi32>
    %eq3A_56 = arith.cmpi eq, %eq3A_55, %iota3A_54 : vector<64x8xi32>
    %and3A_57 = vector.broadcast %lt3A_1 : vector<64x1xi1> to vector<64x8xi1>
    %and3A_58 = arith.andi %eq3A_56, %and3A_57 : vector<64x8xi1>
    %jit3A_59 = arith.constant 1.000000e+00 : f32
    %jit3A_60 = arith.constant 0.000000e+00 : f32
    %broadcast_in_dim3A_61 = vector.broadcast %jit3A_59 : f32 to vector<64x8xf32>
    %broadcast_in_dim3A_62 = vector.broadcast %jit3A_60 : f32 to vector<64x8xf32>
    %select_n3A_63 = arith.select %and3A_58, %broadcast_in_dim3A_61, %broadcast_in_dim3A_62 : vector<64x8xi1>, vector<64x8xf32>
    %get3A = arith.constant 0 : index
    %get3A_64 = arith.constant 0 : index
    %get3A_65 = vector.load %arg0[%get3A, %get3A_64] : memref<13x256xf32, #tpu.memory_space<vmem>>, vector<13x256xf32>
    %broadcast_in_dim3A_66 = arith.constant 0.000000e+00 : f32
    %broadcast_in_dim3A_67 = vector.broadcast %broadcast_in_dim3A_66 : f32 to vector<3x256xf32>
    %concatenate3A = tpu.concatenate %get3A_65, %broadcast_in_dim3A_67 in 0 : vector<13x256xf32>, vector<3x256xf32> -> vector<16x256xf32>
    %get3A_68 = arith.constant 0 : index
    %get3A_69 = arith.constant 0 : index
    %get3A_70 = vector.load %arg1[%get3A_68, %get3A_69] : memref<4x256xf32, #tpu.memory_space<vmem>>, vector<4x256xf32>
    %broadcast_in_dim3A_71 = arith.constant 0.000000e+00 : f32
    %broadcast_in_dim3A_72 = vector.broadcast %broadcast_in_dim3A_71 : f32 to vector<4x256xf32>
    %concatenate3A_73 = tpu.concatenate %get3A_70, %broadcast_in_dim3A_72 in 0 : vector<4x256xf32>, vector<4x256xf32> -> vector<8x256xf32>
    %get3A_74 = arith.constant 0 : index
    %get3A_75 = arith.constant 0 : index
    %get3A_76 = vector.load %arg2[%get3A_74, %get3A_75] : memref<52x256xf32, #tpu.memory_space<vmem>>, vector<52x256xf32>
    %broadcast_in_dim3A_77 = arith.constant 0.000000e+00 : f32
    %broadcast_in_dim3A_78 = vector.broadcast %broadcast_in_dim3A_77 : f32 to vector<12x256xf32>
    %concatenate3A_79 = tpu.concatenate %get3A_76, %broadcast_in_dim3A_78 in 0 : vector<52x256xf32>, vector<12x256xf32> -> vector<64x256xf32>
    %dot_general3A = arith.constant dense<0.000000e+00> : vector<64x256xf32>
    %dot_general3A_80 = tpu.matmul %select_n3A_25, %concatenate3A, %dot_general3A {dimension_numbers = #tpu.dot_dimension_numbers<[1], [0], [0], [1], [0, 0, 1, 1], [], []>, transpose_lhs_hint = false} : vector<64x16xf32>, vector<16x256xf32>, vector<64x256xf32> -> vector<64x256xf32>
    %dot_general3A_81 = arith.constant dense<0.000000e+00> : vector<64x256xf32>
    %dot_general3A_82 = tpu.matmul %select_n3A_63, %concatenate3A_73, %dot_general3A_81 {dimension_numbers = #tpu.dot_dimension_numbers<[1], [0], [0], [1], [0, 0, 1, 1], [], []>, transpose_lhs_hint = false} : vector<64x8xf32>, vector<8x256xf32>, vector<64x256xf32> -> vector<64x256xf32>
    %add3A_83 = arith.addf %dot_general3A_80, %dot_general3A_82 : vector<64x256xf32>
    %add3A_84 = arith.addf %add3A_83, %concatenate3A_79 : vector<64x256xf32>
    %get3A_85 = arith.constant 0 : index
    %get3A_86 = arith.constant 0 : index
    %get3A_87 = vector.load %arg3[%get3A_85, %get3A_86] : memref<256x256xf32, #tpu.memory_space<vmem>>, vector<256x256xf32>
    %dot_general3A_88 = arith.constant dense<0.000000e+00> : vector<64x256xf32>
    %dot_general3A_89 = tpu.matmul %add3A_84, %get3A_87, %dot_general3A_88 {dimension_numbers = #tpu.dot_dimension_numbers<[1], [1], [0], [0], [0, 0, 1, 0], [], []>, transpose_lhs_hint = false} : vector<64x256xf32>, vector<256x256xf32>, vector<64x256xf32> -> vector<64x256xf32>
    %get3A_90 = arith.constant 0 : index
    %get3A_91 = arith.constant 0 : index
    %get3A_92 = vector.load %arg4[%get3A_90, %get3A_91] : memref<1x256xf32, #tpu.memory_space<vmem>>, vector<1x256xf32>
    %broadcast_in_dim3A_93 = arith.constant 0.000000e+00 : f32
    %broadcast_in_dim3A_94 = vector.broadcast %broadcast_in_dim3A_93 : f32 to vector<7x256xf32>
    %concatenate3A_95 = tpu.concatenate %dot_general3A_89, %get3A_92, %broadcast_in_dim3A_94 in 0 : vector<64x256xf32>, vector<1x256xf32>, vector<7x256xf32> -> vector<72x256xf32>
    %swap3A = arith.constant 0 : index
    %swap3A_96 = arith.constant 0 : index
    %swap3A_97 = vector.load %arg5[%swap3A, %swap3A_96] : memref<72x256xf32, #tpu.memory_space<vmem>>, vector<72x256xf32>
    tpu.vector_store %arg5[%swap3A, %swap3A_96], %concatenate3A_95 {strides = array<i32>} : memref<72x256xf32, #tpu.memory_space<vmem>>, vector<72x256xf32>,
    return
  }
}

module attributes {stable_mosaic.version = 14 : i64} {
  func.func @_tc_kernel(%arg0: i32, %arg1: memref<4096x7xi32, #tpu.memory_space<vmem>>, %arg2: memref<13x256xf32, #tpu.memory_space<vmem>>, %arg3: memref<4x256xf32, #tpu.memory_space<vmem>>, %arg4: memref<52x256xf32, #tpu.memory_space<vmem>>, %arg5: memref<256x256xf32, #tpu.memory_space<vmem>>, %arg6: memref<1x256xf32, #tpu.memory_space<vmem>>, %arg7: memref<4096x256xf32, #tpu.memory_space<vmem>>, %arg8: memref<64x256xbf16, #tpu.memory_space<vmem>>) attributes {dimension_semantics = [#tpu.dimension_semantics<arbitrary>], iteration_bounds = array<i64: 4>, scalar_prefetch = 0 : i64, scratch_operands = 1 : i64, tpu.core_type = #tpu.core_type<tc>, window_params = [{transform_indices = @transform_0, window_bounds = array<i64: 4096, 7>}, {pipeline_mode = #tpu.pipeline_mode<synchronous>, transform_indices = @transform_1, window_bounds = array<i64: 13, 256>}, {pipeline_mode = #tpu.pipeline_mode<synchronous>, transform_indices = @transform_2, window_bounds = array<i64: 4, 256>}, {pipeline_mode = #tpu.pipeline_mode<synchronous>, transform_indices = @transform_3, window_bounds = array<i64: 52, 256>}, {pipeline_mode = #tpu.pipeline_mode<synchronous>, transform_indices = @transform_4, window_bounds = array<i64: 256, 256>}, {pipeline_mode = #tpu.pipeline_mode<synchronous>, transform_indices = @transform_5, window_bounds = array<i64: 1, 256>}, {transform_indices = @transform_6, window_bounds = array<i64: 4096, 256>}]} {
    %eq3A = arith.constant 0 : i32
    %eq3A_0 = arith.cmpi eq, %arg0, %eq3A : i32
    %convert_element_type3A = arith.extui %eq3A_0 : i1 to i32
    %cond3A = arith.constant 0 : i32
    %cond3A_1 = arith.cmpi ne, %convert_element_type3A, %cond3A : i32
    scf.if %cond3A_1 {
      %iota3A_79 = tpu.iota {dimensions = array<i32: 0>} : vector<64x1xi32>
      %lt3A = arith.constant 52 : i32
      %lt3A_80 = vector.broadcast %lt3A : i32 to vector<64x1xi32>
      %lt3A_81 = arith.cmpi slt, %iota3A_79, %lt3A_80 : vector<64x1xi32>
      %jit3A_82 = arith.constant 13 : i32
      %eq3A_83 = arith.constant 0 : i32
      %eq3A_84 = arith.cmpi eq, %jit3A_82, %eq3A_83 : i32
      %jit3A_85 = arith.constant 1 : i32
      %select_n3A_86 = arith.select %eq3A_84, %jit3A_85, %jit3A_82 : i32
      %rem3A = vector.broadcast %select_n3A_86 : i32 to vector<64x1xi32>
      %rem3A_87 = arith.remsi %iota3A_79, %rem3A : vector<64x1xi32>
      %ne3A = arith.constant 0 : i32
      %ne3A_88 = vector.broadcast %ne3A : i32 to vector<64x1xi32>
      %ne3A_89 = arith.cmpi ne, %rem3A_87, %ne3A_88 : vector<64x1xi32>
      %lt3A_90 = arith.constant 0 : i32
      %lt3A_91 = vector.broadcast %lt3A_90 : i32 to vector<64x1xi32>
      %lt3A_92 = arith.cmpi slt, %rem3A_87, %lt3A_91 : vector<64x1xi32>
      %lt3A_93 = arith.constant 0 : i32
      %lt3A_94 = arith.cmpi slt, %select_n3A_86, %lt3A_93 : i32
      %ne3A_95 = vector.broadcast %lt3A_94 : i1 to vector<64x1xi1>
      %ne3A_96 = vector.broadcast %ne3A_95 : vector<64x1xi1> to vector<64x1xi1>
      %ne3A_97 = arith.xori %lt3A_92, %ne3A_96 : vector<64x1xi1>
      %and3A = arith.andi %ne3A_97, %ne3A_89 : vector<64x1xi1>
      %add3A_98 = vector.broadcast %select_n3A_86 : i32 to vector<64x1xi32>
      %add3A_99 = arith.addi %rem3A_87, %add3A_98 : vector<64x1xi32>
      %select_n3A_100 = arith.select %and3A, %add3A_99, %rem3A_87 : vector<64x1xi1>, vector<64x1xi32>
      %iota3A_101 = tpu.iota {dimensions = array<i32: 1>} : vector<64x16xi32>
      %eq3A_102 = vector.broadcast %select_n3A_100 : vector<64x1xi32> to vector<64x16xi32>
      %eq3A_103 = arith.cmpi eq, %eq3A_102, %iota3A_101 : vector<64x16xi32>
      %and3A_104 = vector.broadcast %lt3A_81 : vector<64x1xi1> to vector<64x16xi1>
      %and3A_105 = arith.andi %eq3A_103, %and3A_104 : vector<64x16xi1>
      %jit3A_106 = arith.constant 1.000000e+00 : f32
      %jit3A_107 = arith.constant 0.000000e+00 : f32
      %broadcast_in_dim3A_108 = vector.broadcast %jit3A_106 : f32 to vector<64x16xf32>
      %broadcast_in_dim3A_109 = vector.broadcast %jit3A_107 : f32 to vector<64x16xf32>
      %select_n3A_110 = arith.select %and3A_105, %broadcast_in_dim3A_108, %broadcast_in_dim3A_109 : vector<64x16xi1>, vector<64x16xf32>
      %jit3A_111 = arith.constant 13 : i32
      %div3A = vector.broadcast %jit3A_111 : i32 to vector<64x1xi32>
      %div3A_112 = arith.divsi %iota3A_79, %div3A : vector<64x1xi32>
      %sign3A = arith.constant 0 : i32
      %sign3A_113 = vector.broadcast %sign3A : i32 to vector<64x1xi32>
      %sign3A_114 = arith.cmpi sgt, %iota3A_79, %sign3A_113 : vector<64x1xi32>
      %sign3A_115 = arith.extui %sign3A_114 : vector<64x1xi1> to vector<64x1xi32>
      %sign3A_116 = arith.constant 0 : i32
      %sign3A_117 = vector.broadcast %sign3A_116 : i32 to vector<64x1xi32>
      %sign3A_118 = arith.cmpi slt, %iota3A_79, %sign3A_117 : vector<64x1xi32>
      %sign3A_119 = arith.extui %sign3A_118 : vector<64x1xi1> to vector<64x1xi32>
      %sign3A_120 = arith.subi %sign3A_115, %sign3A_119 : vector<64x1xi32>
      %sign3A_121 = arith.constant 0 : i32
      %sign3A_122 = arith.cmpi sgt, %jit3A_111, %sign3A_121 : i32
      %sign3A_123 = arith.extui %sign3A_122 : i1 to i32
      %sign3A_124 = arith.constant 0 : i32
      %sign3A_125 = arith.cmpi slt, %jit3A_111, %sign3A_124 : i32
      %sign3A_126 = arith.extui %sign3A_125 : i1 to i32
      %sign3A_127 = arith.subi %sign3A_123, %sign3A_126 : i32
      %ne3A_128 = vector.broadcast %sign3A_127 : i32 to vector<64x1xi32>
      %ne3A_129 = arith.cmpi ne, %sign3A_120, %ne3A_128 : vector<64x1xi32>
      %rem3A_130 = vector.broadcast %jit3A_111 : i32 to vector<64x1xi32>
      %rem3A_131 = arith.remsi %iota3A_79, %rem3A_130 : vector<64x1xi32>
      %ne3A_132 = arith.constant 0 : i32
      %ne3A_133 = vector.broadcast %ne3A_132 : i32 to vector<64x1xi32>
      %ne3A_134 = arith.cmpi ne, %rem3A_131, %ne3A_133 : vector<64x1xi32>
      %and3A_135 = arith.andi %ne3A_129, %ne3A_134 : vector<64x1xi1>
      %sub3A = arith.constant 1 : i32
      %sub3A_136 = vector.broadcast %sub3A : i32 to vector<64x1xi32>
      %sub3A_137 = arith.subi %div3A_112, %sub3A_136 : vector<64x1xi32>
      %select_n3A_138 = arith.select %and3A_135, %sub3A_137, %div3A_112 : vector<64x1xi1>, vector<64x1xi32>
      %iota3A_139 = tpu.iota {dimensions = array<i32: 1>} : vector<64x8xi32>
      %eq3A_140 = vector.broadcast %select_n3A_138 : vector<64x1xi32> to vector<64x8xi32>
      %eq3A_141 = arith.cmpi eq, %eq3A_140, %iota3A_139 : vector<64x8xi32>
      %and3A_142 = vector.broadcast %lt3A_81 : vector<64x1xi1> to vector<64x8xi1>
      %and3A_143 = arith.andi %eq3A_141, %and3A_142 : vector<64x8xi1>
      %jit3A_144 = arith.constant 1.000000e+00 : f32
      %jit3A_145 = arith.constant 0.000000e+00 : f32
      %broadcast_in_dim3A_146 = vector.broadcast %jit3A_144 : f32 to vector<64x8xf32>
      %broadcast_in_dim3A_147 = vector.broadcast %jit3A_145 : f32 to vector<64x8xf32>
      %select_n3A_148 = arith.select %and3A_143, %broadcast_in_dim3A_146, %broadcast_in_dim3A_147 : vector<64x8xi1>, vector<64x8xf32>
      %get3A_149 = arith.constant 0 : index
      %get3A_150 = arith.constant 0 : index
      %get3A_151 = vector.load %arg2[%get3A_149, %get3A_150] : memref<13x256xf32, #tpu.memory_space<vmem>>, vector<13x256xf32>
      %broadcast_in_dim3A_152 = arith.constant 0.000000e+00 : f32
      %broadcast_in_dim3A_153 = vector.broadcast %broadcast_in_dim3A_152 : f32 to vector<3x256xf32>
      %concatenate3A = tpu.concatenate %get3A_151, %broadcast_in_dim3A_153 in 0 : vector<13x256xf32>, vector<3x256xf32> -> vector<16x256xf32>
      %get3A_154 = arith.constant 0 : index
      %get3A_155 = arith.constant 0 : index
      %get3A_156 = vector.load %arg3[%get3A_154, %get3A_155] : memref<4x256xf32, #tpu.memory_space<vmem>>, vector<4x256xf32>
      %broadcast_in_dim3A_157 = arith.constant 0.000000e+00 : f32
      %broadcast_in_dim3A_158 = vector.broadcast %broadcast_in_dim3A_157 : f32 to vector<4x256xf32>
      %concatenate3A_159 = tpu.concatenate %get3A_156, %broadcast_in_dim3A_158 in 0 : vector<4x256xf32>, vector<4x256xf32> -> vector<8x256xf32>
      %get3A_160 = arith.constant 0 : index
      %get3A_161 = arith.constant 0 : index
      %get3A_162 = vector.load %arg4[%get3A_160, %get3A_161] : memref<52x256xf32, #tpu.memory_space<vmem>>, vector<52x256xf32>
      %broadcast_in_dim3A_163 = arith.constant 0.000000e+00 : f32
      %broadcast_in_dim3A_164 = vector.broadcast %broadcast_in_dim3A_163 : f32 to vector<12x256xf32>
      %concatenate3A_165 = tpu.concatenate %get3A_162, %broadcast_in_dim3A_164 in 0 : vector<52x256xf32>, vector<12x256xf32> -> vector<64x256xf32>
      %dot_general3A_166 = arith.constant dense<0.000000e+00> : vector<64x256xf32>
      %dot_general3A_167 = tpu.matmul %select_n3A_110, %concatenate3A, %dot_general3A_166 {dimension_numbers = #tpu.dot_dimension_numbers<[1], [0], [0], [1], [0, 0, 1, 1], [], []>, transpose_lhs_hint = false} : vector<64x16xf32>, vector<16x256xf32>, vector<64x256xf32> -> vector<64x256xf32>
      %dot_general3A_168 = arith.constant dense<0.000000e+00> : vector<64x256xf32>
      %dot_general3A_169 = tpu.matmul %select_n3A_148, %concatenate3A_159, %dot_general3A_168 {dimension_numbers = #tpu.dot_dimension_numbers<[1], [0], [0], [1], [0, 0, 1, 1], [], []>, transpose_lhs_hint = false} : vector<64x8xf32>, vector<8x256xf32>, vector<64x256xf32> -> vector<64x256xf32>
      %add3A_170 = arith.addf %dot_general3A_167, %dot_general3A_169 : vector<64x256xf32>
      %add3A_171 = arith.addf %add3A_170, %concatenate3A_165 : vector<64x256xf32>
      %get3A_172 = arith.constant 0 : index
      %get3A_173 = arith.constant 0 : index
      %get3A_174 = vector.load %arg5[%get3A_172, %get3A_173] : memref<256x256xf32, #tpu.memory_space<vmem>>, vector<256x256xf32>
      %dot_general3A_175 = arith.constant dense<0.000000e+00> : vector<64x256xf32>
      %dot_general3A_176 = tpu.matmul %add3A_171, %get3A_174, %dot_general3A_175 {dimension_numbers = #tpu.dot_dimension_numbers<[1], [1], [0], [0], [0, 0, 1, 0], [], []>, transpose_lhs_hint = false} : vector<64x256xf32>, vector<256x256xf32>, vector<64x256xf32> -> vector<64x256xf32>
      %convert_element_type3A_177 = arith.truncf %dot_general3A_176 : vector<64x256xf32> to vector<64x256xbf16>
      %swap3A_178 = arith.constant 0 : index
      %swap3A_179 = arith.constant 0 : index
      %swap3A_180 = vector.load %arg8[%swap3A_178, %swap3A_179] : memref<64x256xbf16, #tpu.memory_space<vmem>>, vector<64x256xbf16>
      tpu.vector_store %arg8[%swap3A_178, %swap3A_179], %convert_element_type3A_177 {strides = array<i32>} : memref<64x256xbf16, #tpu.memory_space<vmem>>, vector<64x256xbf16>,
    } else {
    }
    %get3A = arith.constant 0 : index
    %get3A_2 = arith.constant 0 : index
    %get3A_3 = vector.load %arg1[%get3A, %get3A_2] : memref<4096x7xi32, #tpu.memory_space<vmem>>, vector<4096x7xi32>
    %convert_element_type3A_4 = arith.sitofp %get3A_3 : vector<4096x7xi32> to vector<4096x7xbf16>
    %iota3A = tpu.iota {dimensions = array<i32: 1>} : vector<4096x64xi32>
    %convert_element_type3A_5 = arith.sitofp %iota3A : vector<4096x64xi32> to vector<4096x64xbf16>
    %broadcast_in_dim3A = arith.constant 0.000000e+00 : bf16
    %broadcast_in_dim3A_6 = vector.broadcast %broadcast_in_dim3A : bf16 to vector<4096x64xbf16>
    %slice3A = vector.extract_strided_slice %convert_element_type3A_4 {offsets = [0, 0], sizes = [4096, 1], strides = [1, 1]} : vector<4096x7xbf16> to vector<4096x1xbf16>
    %eq3A_7 = vector.broadcast %slice3A : vector<4096x1xbf16> to vector<4096x64xbf16>
    %eq3A_8 = arith.cmpf oeq, %eq3A_7, %convert_element_type3A_5 : vector<4096x64xbf16>
    %jit3A = arith.constant 1.000000e+00 : bf16
    %jit3A_9 = arith.constant 0.000000e+00 : bf16
    %broadcast_in_dim3A_10 = vector.broadcast %jit3A : bf16 to vector<4096x64xbf16>
    %broadcast_in_dim3A_11 = vector.broadcast %jit3A_9 : bf16 to vector<4096x64xbf16>
    %select_n3A = arith.select %eq3A_8, %broadcast_in_dim3A_10, %broadcast_in_dim3A_11 : vector<4096x64xi1>, vector<4096x64xbf16>
    %add3A = arith.addf %broadcast_in_dim3A_6, %select_n3A : vector<4096x64xbf16>
    %slice3A_12 = vector.extract_strided_slice %convert_element_type3A_4 {offsets = [0, 1], sizes = [4096, 1], strides = [1, 1]} : vector<4096x7xbf16> to vector<4096x1xbf16>
    %eq3A_13 = vector.broadcast %slice3A_12 : vector<4096x1xbf16> to vector<4096x64xbf16>
    %eq3A_14 = arith.cmpf oeq, %eq3A_13, %convert_element_type3A_5 : vector<4096x64xbf16>
    %jit3A_15 = arith.constant 1.000000e+00 : bf16
    %jit3A_16 = arith.constant 0.000000e+00 : bf16
    %broadcast_in_dim3A_17 = vector.broadcast %jit3A_15 : bf16 to vector<4096x64xbf16>
    %broadcast_in_dim3A_18 = vector.broadcast %jit3A_16 : bf16 to vector<4096x64xbf16>
    %select_n3A_19 = arith.select %eq3A_14, %broadcast_in_dim3A_17, %broadcast_in_dim3A_18 : vector<4096x64xi1>, vector<4096x64xbf16>
    %add3A_20 = arith.addf %add3A, %select_n3A_19 : vector<4096x64xbf16>
    %slice3A_21 = vector.extract_strided_slice %convert_element_type3A_4 {offsets = [0, 2], sizes = [4096, 1], strides = [1, 1]} : vector<4096x7xbf16> to vector<4096x1xbf16>
    %eq3A_22 = vector.broadcast %slice3A_21 : vector<4096x1xbf16> to vector<4096x64xbf16>
    %eq3A_23 = arith.cmpf oeq, %eq3A_22, %convert_element_type3A_5 : vector<4096x64xbf16>
    %jit3A_24 = arith.constant 1.000000e+00 : bf16
    %jit3A_25 = arith.constant 0.000000e+00 : bf16
    %broadcast_in_dim3A_26 = vector.broadcast %jit3A_24 : bf16 to vector<4096x64xbf16>
    %broadcast_in_dim3A_27 = vector.broadcast %jit3A_25 : bf16 to vector<4096x64xbf16>
    %select_n3A_28 = arith.select %eq3A_23, %broadcast_in_dim3A_26, %broadcast_in_dim3A_27 : vector<4096x64xi1>, vector<4096x64xbf16>
    %add3A_29 = arith.addf %add3A_20, %select_n3A_28 : vector<4096x64xbf16>
    %slice3A_30 = vector.extract_strided_slice %convert_element_type3A_4 {offsets = [0, 3], sizes = [4096, 1], strides = [1, 1]} : vector<4096x7xbf16> to vector<4096x1xbf16>
    %eq3A_31 = vector.broadcast %slice3A_30 : vector<4096x1xbf16> to vector<4096x64xbf16>
    %eq3A_32 = arith.cmpf oeq, %eq3A_31, %convert_element_type3A_5 : vector<4096x64xbf16>
    %jit3A_33 = arith.constant 1.000000e+00 : bf16
    %jit3A_34 = arith.constant 0.000000e+00 : bf16
    %broadcast_in_dim3A_35 = vector.broadcast %jit3A_33 : bf16 to vector<4096x64xbf16>
    %broadcast_in_dim3A_36 = vector.broadcast %jit3A_34 : bf16 to vector<4096x64xbf16>
    %select_n3A_37 = arith.select %eq3A_32, %broadcast_in_dim3A_35, %broadcast_in_dim3A_36 : vector<4096x64xi1>, vector<4096x64xbf16>
    %add3A_38 = arith.addf %add3A_29, %select_n3A_37 : vector<4096x64xbf16>
    %slice3A_39 = vector.extract_strided_slice %convert_element_type3A_4 {offsets = [0, 4], sizes = [4096, 1], strides = [1, 1]} : vector<4096x7xbf16> to vector<4096x1xbf16>
    %eq3A_40 = vector.broadcast %slice3A_39 : vector<4096x1xbf16> to vector<4096x64xbf16>
    %eq3A_41 = arith.cmpf oeq, %eq3A_40, %convert_element_type3A_5 : vector<4096x64xbf16>
    %jit3A_42 = arith.constant 1.000000e+00 : bf16
    %jit3A_43 = arith.constant 0.000000e+00 : bf16
    %broadcast_in_dim3A_44 = vector.broadcast %jit3A_42 : bf16 to vector<4096x64xbf16>
    %broadcast_in_dim3A_45 = vector.broadcast %jit3A_43 : bf16 to vector<4096x64xbf16>
    %select_n3A_46 = arith.select %eq3A_41, %broadcast_in_dim3A_44, %broadcast_in_dim3A_45 : vector<4096x64xi1>, vector<4096x64xbf16>
    %add3A_47 = arith.addf %add3A_38, %select_n3A_46 : vector<4096x64xbf16>
    %slice3A_48 = vector.extract_strided_slice %convert_element_type3A_4 {offsets = [0, 5], sizes = [4096, 1], strides = [1, 1]} : vector<4096x7xbf16> to vector<4096x1xbf16>
    %eq3A_49 = vector.broadcast %slice3A_48 : vector<4096x1xbf16> to vector<4096x64xbf16>
    %eq3A_50 = arith.cmpf oeq, %eq3A_49, %convert_element_type3A_5 : vector<4096x64xbf16>
    %jit3A_51 = arith.constant 1.000000e+00 : bf16
    %jit3A_52 = arith.constant 0.000000e+00 : bf16
    %broadcast_in_dim3A_53 = vector.broadcast %jit3A_51 : bf16 to vector<4096x64xbf16>
    %broadcast_in_dim3A_54 = vector.broadcast %jit3A_52 : bf16 to vector<4096x64xbf16>
    %select_n3A_55 = arith.select %eq3A_50, %broadcast_in_dim3A_53, %broadcast_in_dim3A_54 : vector<4096x64xi1>, vector<4096x64xbf16>
    %add3A_56 = arith.addf %add3A_47, %select_n3A_55 : vector<4096x64xbf16>
    %slice3A_57 = vector.extract_strided_slice %convert_element_type3A_4 {offsets = [0, 6], sizes = [4096, 1], strides = [1, 1]} : vector<4096x7xbf16> to vector<4096x1xbf16>
    %eq3A_58 = vector.broadcast %slice3A_57 : vector<4096x1xbf16> to vector<4096x64xbf16>
    %eq3A_59 = arith.cmpf oeq, %eq3A_58, %convert_element_type3A_5 : vector<4096x64xbf16>
    %jit3A_60 = arith.constant 1.000000e+00 : bf16
    %jit3A_61 = arith.constant 0.000000e+00 : bf16
    %broadcast_in_dim3A_62 = vector.broadcast %jit3A_60 : bf16 to vector<4096x64xbf16>
    %broadcast_in_dim3A_63 = vector.broadcast %jit3A_61 : bf16 to vector<4096x64xbf16>
    %select_n3A_64 = arith.select %eq3A_59, %broadcast_in_dim3A_62, %broadcast_in_dim3A_63 : vector<4096x64xi1>, vector<4096x64xbf16>
    %add3A_65 = arith.addf %add3A_56, %select_n3A_64 : vector<4096x64xbf16>
    %get3A_66 = arith.constant 0 : index
    %get3A_67 = arith.constant 0 : index
    %get3A_68 = vector.load %arg8[%get3A_66, %get3A_67] : memref<64x256xbf16, #tpu.memory_space<vmem>>, vector<64x256xbf16>
    %dot_general3A = arith.constant dense<0.000000e+00> : vector<4096x256xf32>
    %dot_general3A_69 = tpu.matmul %add3A_65, %get3A_68, %dot_general3A {dimension_numbers = #tpu.dot_dimension_numbers<[1], [0], [0], [1], [0, 0, 1, 1], [], []>, transpose_lhs_hint = false} : vector<4096x64xbf16>, vector<64x256xbf16>, vector<4096x256xf32> -> vector<4096x256xf32>
    %get3A_70 = arith.constant 0 : index
    %get3A_71 = arith.constant 0 : index
    %get3A_72 = vector.load %arg6[%get3A_70, %get3A_71] : memref<1x256xf32, #tpu.memory_space<vmem>>, vector<1x256xf32>
    %add3A_73 = vector.broadcast %get3A_72 : vector<1x256xf32> to vector<4096x256xf32>
    %add3A_74 = arith.addf %dot_general3A_69, %add3A_73 : vector<4096x256xf32>
    %max3A = arith.constant 0.000000e+00 : f32
    %max3A_75 = vector.broadcast %max3A : f32 to vector<4096x256xf32>
    %max3A_76 = arith.maximumf %add3A_74, %max3A_75 : vector<4096x256xf32>
    %swap3A = arith.constant 0 : index
    %swap3A_77 = arith.constant 0 : index
    %swap3A_78 = vector.load %arg7[%swap3A, %swap3A_77] : memref<4096x256xf32, #tpu.memory_space<vmem>>, vector<4096x256xf32>
    tpu.vector_store %arg7[%swap3A, %swap3A_77], %max3A_76 {strides = array<i32>} : memref<4096x256xf32, #tpu.memory_space<vmem>>, vector<4096x256xf32>,
    return
  }
  func.func @transform_0(%arg0: i32) -> (i32, i32) {
    %c0_i32 = arith.constant 0 : i32
    %c0_i32_0 = arith.constant 0 : i32
    return %arg0, %c0_i32 : i32, i32
  }
  func.func @transform_1(%arg0: i32) -> (i32, i32) {
    %c0_i32 = arith.constant 0 : i32
    %c0_i32_0 = arith.constant 0 : i32
    %c0_i32_1 = arith.constant 0 : i32
    return %c0_i32, %c0_i32_0 : i32, i32
  }
  func.func @transform_2(%arg0: i32) -> (i32, i32) {
    %c0_i32 = arith.constant 0 : i32
    %c0_i32_0 = arith.constant 0 : i32
    %c0_i32_1 = arith.constant 0 : i32
    return %c0_i32, %c0_i32_0 : i32, i32
  }
  func.func @transform_3(%arg0: i32) -> (i32, i32) {
    %c0_i32 = arith.constant 0 : i32
    %c0_i32_0 = arith.constant 0 : i32
    %c0_i32_1 = arith.constant 0 : i32
    return %c0_i32, %c0_i32_0 : i32, i32
  }
  func.func @transform_4(%arg0: i32) -> (i32, i32) {
    %c0_i32 = arith.constant 0 : i32
    %c0_i32_0 = arith.constant 0 : i32
    %c0_i32_1 = arith.constant 0 : i32
    return %c0_i32, %c0_i32_0 : i32, i32
  }
  func.func @transform_5(%arg0: i32) -> (i32, i32) {
    %c0_i32 = arith.constant 0 : i32
    %c0_i32_0 = arith.constant 0 : i32
    %c0_i32_1 = arith.constant 0 : i32
    return %c0_i32, %c0_i32_0 : i32, i32
  }
  func.func @transform_6(%arg0: i32) -> (i32, i32) {
    %c0_i32 = arith.constant 0 : i32
    %c0_i32_0 = arith.constant 0 : i32
    return %arg0, %c0_i32 : i32, i32
  }
}

</mosaic_0001>

<sc_bundles>
// kernel: kernel.5.cloned.1.call-start
scs
__scs_entry_jumppad:
0x0: {  	(pc) =	sbr.rel $0x88, $3  }
0x1: {  	(tag) =	ssettag $0x0;
	lr =	simm.s32 $0x1  }
0x2: {  	[smem:$0x3F9B] =	sst lr;
	_ =	strace $0xD0000000  }
0x3: {  	_ = 	snop  }
0x4: {  	_ = 	snop  }
0x5: {  	_ = 	snop  }
0x6: {  	_ = 	snop  }
0x7: {  	_ = 	snop  }
__scs_overlays_trampoline_lowered:
0x8: {  	[smem:$0x3FAA] =	sst s0  }
0x9: {  	[smem:$0x3FAB] =	sst s1  }
0xa: {  	[smem:$0x3FAC] =	sst s2  }
0xb: {  	[smem:$0x3FAD] =	sst s3  }
0xc: {  	[smem:$0x3FAE] =	sst s4  }
0xd: {  	[smem:$0x3FAF] =	sst s5  }
0xe: {  	[smem:$0x3FB0] =	sst s6  }
0xf: {  	[smem:$0x3FB1] =	sst s7  }
0x10: {  	[smem:$0x3FB2] =	sst s8  }
0x11: {  	[smem:$0x3FB3] =	sst s9;
	s0 =	simm.s32 @!p0 $0x0  }
0x12: {  	s1 =	sld [smem:$0x3F99];
	s0 =	simm.s32 @p0 $0x1  }
0x13: {  	[smem:$0x3FB4] =	sst s0;
	s0 =	simm.s32 @!p1 $0x0  }
0x14: {  	s2 =	sld [smem:$0x3F98];
	s0 =	simm.s32 @p1 $0x1  }
0x15: {  	[smem:$0x3FB5] =	sst s0;
	s0 =	simm.s32 @!p2 $0x0  }
0x16: {  	s3 =	sld [smem:$0x3FDB];
	s0 =	simm.s32 @p2 $0x1  }
0x17: {  	s4 =	simm.s32 $0x1BF5;
	[smem:$0x3FB7] =	sst s0  }
0x18: {  	s0 =	sld [smem:$0x3F9A];
	_ =	swait.ge [sflag:s4], $0x0  }
0x19: {  	s7 =	sld [smem:$0x3F9B]  }
0x1a: {  	s8 =	sadd.s32 $0xFFFFE003, lr  }
0x1b: {  	s9 =	sadd.s32 $0xFFFFFEF7, lr;
	s5 =	simm.s32 $0xFFFFFFFF;
	p2 =	slt.u32 s8, $0xFFFFF086  }
0x1c: {  	p1 =	slt.u32 s9, $0xF7A;
	s5 =	simm.s32 @!p2 $0x0  }
0x1d: {  	s5 =	simm.s32 @p1 $0x1;
	p0 =	seq.s32 s7, s2  }
0x1e: {  	s7 =	smul.u32 @!p0 $0xF7A, s2;
	p2 =	seq.s32 @!p0 s5, $0x0  }
0x1f: {  	s9 =	smul.u32 $0xF7A, s1;
	s8 =	simm.s32 @!p0 $0x1BF5;
	p2 =	por !p2, p0  }
0x20: {  	[sflag:s8] =	ssyncset.s32 @!p0 $0xFFFFF086;
	s6 =	sadd.s32 @!p0 s3, s7;
	s7 =	simm.s32 @!p0 $0x108  }
0x21: {  	s3 =	sadd.s32 s3, s9;
	s6 =	sadd.s32 @!p0 $0x88, s6;
	s7 =	simm.s32 @p2 $0x1082  }
0x22: {  	[simem:s7], [sflag:s8] =	dma.local @!p0 [hbm:s6], $0xF7A  }
0x23: {  	s9 =	sor.u32 $0xD0000000, s2;
	s6 =	simm.s32 $0x108;
	_ =	swait.ge @!p0 [sflag:s8], $0x0  }
0x24: {  	s3 =	sadd.s32 $0x88, s3;
	s6 =	simm.s32 @!p1 $0x1082;
	[sflag:s4] =	ssyncset.s32 $0xFFFFF086  }
0x25: {  	[simem:s6], [sflag:s4] =	dma.local [hbm:s3], $0xF7A  }
0x26: {  	[smem:$0x3F9B] =	sst s1;
	(tag) =	ssettag s2;
	_ =	strace s9  }
0x27: {  	s1 =	sld [smem:$0x3FAB]  }
0x28: {  	s2 =	sld [smem:$0x3FAC]  }
0x29: {  	s4 =	sld [smem:$0x3FAE]  }
0x2a: {  	p0 =	seq.s32 s5, $0x0;
	s5 =	sld [smem:$0x3FAF]  }
0x2b: {  	s6 =	sld [smem:$0x3FB0]  }
0x2c: {  	s7 =	sld [smem:$0x3FB1]  }
0x2d: {  	s3 =	simm.s32 $0x108;
	s8 =	sld [smem:$0x3FB2]  }
0x2e: {  	s3 =	simm.s32 @!p0 $0x1082;
	s9 =	sld [smem:$0x3FB3]  }
0x2f: {  	lr =	sadd.s32 s0, s3;
	s0 =	sld [smem:$0x3FAA]  }
0x30: {  	s3 =	sld [smem:$0x3FAD]  }
0x31: {  	[smem:$0x3FB6] =	sst s10  }
0x32: {  	s10 =	sld [smem:$0x3FB4];
	_ =	sdelay $0x3  }
0x33: {  	p0 =	seq.s32 s10, $0x1;
	s10 =	sld [smem:$0x3FB6];
	_ =	sdelay $0x3  }
0x34: {  	[smem:$0x3FB6] =	sst s10  }
0x35: {  	s10 =	sld [smem:$0x3FB5];
	_ =	sdelay $0x3  }
0x36: {  	p1 =	seq.s32 s10, $0x1;
	s10 =	sld [smem:$0x3FB6];
	_ =	sdelay $0x3  }
0x37: {  	[smem:$0x3FB6] =	sst s10  }
0x38: {  	s10 =	sld [smem:$0x3FB7]  }
0x39: {  	_ = 	snop;
	(pc) =	sbr.ind lr, $3  }
0x3a: {  	_ = 	snop  }
0x3b: {  	_ = 	snop  }
0x3c: {  	p2 =	seq.s32 s10, $0x1;
	s10 =	sld [smem:$0x3FB6]  }
0x3d: {  	_ =	shalt  }
0x3e: {  	_ =	shalt  }
0x3f: {  	_ =	shalt  }
0x40: {  	_ =	shalt  }
0x41: {  	_ =	shalt  }
0x42: {  	_ =	shalt  }
0x43: {  	_ =	shalt  }
0x44: {  	_ =	shalt  }
0x45: {  	_ =	shalt  }
0x46: {  	_ =	shalt  }
0x47: {  	_ =	shalt  }
0x48: {  	_ =	shalt  }
0x49: {  	_ =	shalt  }
0x4a: {  	_ =	shalt  }
0x4b: {  	_ =	shalt  }
0x4c: {  	_ =	shalt  }
0x4d: {  	_ =	shalt  }
0x4e: {  	_ =	shalt  }
0x4f: {  	_ =	shalt  }
0x50: {  	_ =	shalt  }
0x51: {  	_ =	shalt  }
0x52: {  	_ =	shalt  }
0x53: {  	_ =	shalt  }
0x54: {  	_ =	shalt  }
0x55: {  	_ =	shalt  }
0x56: {  	_ =	shalt  }
0x57: {  	_ =	shalt  }
0x58: {  	_ =	shalt  }
0x59: {  	_ =	shalt  }
0x5a: {  	_ =	shalt  }
0x5b: {  	_ =	shalt  }
0x5c: {  	_ =	shalt  }
0x5d: {  	_ =	shalt  }
0x5e: {  	_ =	shalt  }
0x5f: {  	_ =	shalt  }
0x60: {  	_ =	shalt  }
0x61: {  	_ =	shalt  }
0x62: {  	_ =	shalt  }
0x63: {  	_ =	shalt  }
0x64: {  	_ =	shalt  }
0x65: {  	_ =	shalt  }
0x66: {  	_ =	shalt  }
0x67: {  	_ =	shalt  }
0x68: {  	_ =	shalt  }
0x69: {  	_ =	shalt  }
0x6a: {  	_ =	shalt  }
0x6b: {  	_ =	shalt  }
0x6c: {  	_ =	shalt  }
0x6d: {  	_ =	shalt  }
0x6e: {  	_ =	shalt  }
0x6f: {  	_ =	shalt  }
0x70: {  	_ =	shalt  }
0x71: {  	_ =	shalt  }
0x72: {  	_ =	shalt  }
0x73: {  	_ =	shalt  }
0x74: {  	_ =	shalt  }
0x75: {  	_ =	shalt  }
0x76: {  	_ =	shalt  }
0x77: {  	_ =	shalt  }
0x78: {  	_ =	shalt  }
0x79: {  	_ =	shalt  }
0x7a: {  	_ =	shalt  }
0x7b: {  	_ =	shalt  }
0x7c: {  	_ =	shalt  }
0x7d: {  	_ =	shalt  }
0x7e: {  	_ =	shalt  }
0x7f: {  	_ =	shalt  }
0x80: {  	_ =	shalt  }
0x81: {  	_ =	shalt  }
0x82: {  	_ =	shalt  }
0x83: {  	_ =	shalt  }
0x84: {  	_ =	shalt  }
0x85: {  	_ =	shalt  }
0x86: {  	_ =	shalt  }
0x87: {  	_ =	shalt  }
.Lfunc_end0:
.L_simem_size_0:
called_computation_lowered:
.L_overlay_start_0:
0x88: {  	s2 =	sld [smem:$0x3FD9]  }
0x89: {  	s3 =	sld [smem:$0x3FFE];
	_ =	sdelay $0x1  }
0x8a: {  	s1 =	srdreg.scid  }
0x8b: {  	s0 =	sand.u32 $0x1, s1  }
0x8c: {  	s16 =	sshll.u32 s0, $0xA;
	s2 =	sadd.s32 s3, s2  }
0x8d: {  	s2 =	sadd.s32 s2, s16  }
0x8e: {  	[smem:$0x3FC2] =	sst s2  }
0x8f: {  	_ = 	snop  }
0x90: {  	(tm) =	ssettm $0x1  }
0x91: {  	s17 =	sld [smem:$0x3FFB];
	_ =	sdelay $0x3  }
0x92: {  	_ =	strace s17  }
0x93: {  	s2 =	sld [smem:$0x3FFC];
	_ =	sdelay $0x3  }
0x94: {  	_ =	strace s2  }
0x95: {  	s2 =	sld [smem:$0x3FFD];
	_ =	sdelay $0x3  }
0x96: {  	_ =	strace s2  }
0x97: {  	_ =	strace $0x8FFFFFFF  }
0x98: {  	s18 =	sld [smem:$0x3FDB];
	_ =	sdelay $0x1  }
0x99: {  	s19 =	simm.s32 $_scs_section_size  }
0x9a: {  	s4 =	simm.s32 $_size__tile_overlayer_lowered;
	s5 =	simm.s32 $_tile_overlayer_lowered  }
0x9b: {  	s22 =	simm.s32 $0x1BFF;
	s21 =	sshll.u32 s5, $0x1;
	s2 =	sadd.s32 s19, s18  }
0x9c: {  	s6 =	simm.s32 $0x0;
	s20 =	sshll.u32 s4, $0x1;
	s4 =	sadd.s32 s21, s2  }
0x9d: {  	[timem:s6], [sflag:s22] =	dma.local [hbm:s4], s20  }
0x9e: {  	_ =	swait.ge [sflag:s22], s20  }
0x9f: {  	s3 =	ssub.s32 $0x0, s20;
	[sflag:s22] =	ssyncset.done $0x0  }
0xa0: {  	[sflag:s22] =	ssyncadd.s32 s3;
	_ =	sdelay $0x1  }
0xa1: {  	s23 =	simm.s32 $0x1B8B  }
0xa2: {  	_ =	swait.ge [sflag:s23], $0x1  }
0xa3: {  	[sflag:s23] =	ssyncset.done $0x0  }
0xa4: {  	s25 =	simm.s32 $0x1B8E;
	s24 =	sld [smem:$0x3FFE];
	[sflag:s23] =	ssyncadd.s32 $0xFFFFFFFF  }
0xa5: {  	s26 =	simm.s32 $execute0_lowered;
	[smem:$0x3FD2] =	sst s25  }
0xa6: {  	s4 =	sshll.u32 s26, $0x1;
	_ =	strace $0x80000046;
	[dreg:$0x1] =	wrdreg $0xFFFFFFFF  }
0xa7: {  	s28 =	simm.s32 $_size_execute0_lowered;
	s2 =	sadd.s32 s2, s4;
	[dreg:$0x0] =	wrdreg $0x0  }
0xa8: {  	s4 =	sshll.u32 s28, $0x1;
	[dreg:$0x2] =	wrdreg s2  }
0xa9: {  	[dreg:$0x3] =	wrdreg s4  }
0xaa: {  	[dreg:$0x4] =	wrdreg $0xC0  }
0xab: {  	_ =	task [dreg:s6], $0x5FFFF  }
0xac: {  	[dreg:$0x1] =	wrdreg $0xFFFFFFFF  }
0xad: {  	[dreg:$0x0] =	wrdreg $0x60  }
0xae: {  	[dreg:$0x2] =	wrdreg s24  }
0xaf: {  	[dreg:$0x3] =	wrdreg $0x9  }
0xb0: {  	_ =	task.clear_ibuf [dreg:s6], $0x4FFFF;
	_ =	strace $0x90000046  }
0xb1: {  	s29 =	simm.s32 $0x9;
	_ =	strace $0x80000048  }
0xb2: {  	_ =	swait.ge [sflag:s29], $0x1  }
0xb3: {  	[sflag:s29] =	ssyncadd.s32 $0xFFFFFFFF  }
0xb4: {  	_ =	strace $0x90000048  }
0xb5: {  	_ =	sfence  }
0xb6: {  	s30 =	sld [smem:$0x0];
	_ =	sdelay $0x2  }
0xb7: {  	s31 =	sshll.u32 s1, $0xD;
	s1 =	sshrl.u32 s1, $0x2  }
0xb8: {  	s3 =	sand.u32 $0x4000, s31;
	s1 =	sadd.s32 s1, s30  }
0xb9: {  	s0 =	sor.u32 s3, s0;
	s1 =	sshll.u32 s1, $0x11  }
0xba: {  	s0 =	sor.u32 s1, s0  }
0xbb: {  	s0 =	sadd.s32 $0x8F2B, s0  }
0xbc: {  	[sflag:s0] =	ssyncadd.remote.s32 $0x1  }
0xbd: {  	_ =	sfence.sel $0xFFFF  }
0xbe: {  	[dreg:$0x0] =	wrdreg $0xFFFFFFFF;
	(pc) =	sbr.abs _section_cstart, $3  }
0xbf: {  	[dreg:$0x1] =	wrdreg $0xFFFFFFFF  }
0xc0: {  	_ =	task.clear_ibuf [dreg:s6], $0x2FFFF;
	_ =	strace $0x9FFFFFFF  }
0xc1: {  	(tm) =	ssettm $0x7FFFFFFF  }
tec
execute0_lowered:
.L_overlay_start_1:
0x0: {  	(tag) =	ssettag $0x1  }
0x1: {  	s1 =	srdreg.scid  }
0x2: {  	s0 =	stileid.u32;
	s4 =	rddreg [dreg:$0x0];
	s2 =	simm.s32 $0x0  }
0x3: {  	s9 =	simm.s32 $0x2800;
	s3 =	sand.u32 $0x1, s1;
	s1 =	rddreg [dreg:$0x1]  }
0x4: {  	s10 =	simm.s32 $0x0;
	s5 =	sshll.u32 s0, $0x1;
	[smem:$0x7FF] =	sst s2  }
0x5: {  	s5 =	sor.u32 s3, s5;
	_ =	strace $0x80000047;
	s7 =	ssub.s32 $0x2, s3  }
0x6: {  	v0 =	vlaneseq.u32;
	s3 =	sadd.s32 $0x1400, s4;
	s6 =	sshll.u32 s5, $0x7;
	s5 =	sshll.u32 s5, $0x9  }
0x7: {  	v0 =	vmul.u32 $0x100, v0;
	s8 =	sshrl.u32 s7, $0x1;
	s6 =	sadd.s32 s6, s4;
	s5 =	sadd.s32 s5, s4  }
0x8: {  	s7 =	ssub.s32 s7, s8;
	s8 =	simm.s32 $0x2400;
	s4 =	sadd.s32 $0x1A00, s6  }
0x9: {  	v1 =	vimm.bf16 $0.0e+00;
	v2 =	vor.u32 $0x1, v0;
	s5 =	sadd.s32 $0x2A00, s5;
	s6 =	smax.u32 s7, $0x1;
	s7 =	simm.s32 $0x1  }
.LBB2_1:
0xa: {  	[tilespmem:s2], [sflag:$0x1] =	stream.linear.gather [hbm4b:s3+s2], $0x2400, $0x38;
	[tilespmem:$0x3800] =	vst v63  }
0xb: {  	_ =	swait.ge [sflag:s7], $0x2400  }
0xc: {  	[sflag:s7] =	ssyncset.done $0x0  }
0xd: {  	[sflag:s7] =	ssyncadd.s32 $0xFFFFDC00  }
0xe: {  	[tilespmem:s8], [sflag:$0x1] =	stream.linear.gather [hbm4b:s4+s2], $0x400, $0x38;
	[tilespmem:$0x3800] =	vst v63  }
0xf: {  	_ =	swait.ge [sflag:s7], $0x400  }
0x10: {  	[sflag:s7] =	ssyncset.done $0x0  }
0x11: {  	[sflag:s7] =	ssyncadd.s32 $0xFFFFFC00  }
0x12: {  	v3 =	vld [tilespmem:$0x2400]  }
0x13: {  	v4 =	vld [tilespmem:$0x2780]  }
0x14: {  	v6 =	vld [tilespmem:$0x2680]  }
0x15: {  	v7 =	vld [tilespmem:$0x2700]  }
0x16: {  	v8 =	vld [tilespmem:$0x2580]  }
0x17: {  	v11 =	vimm.s32 $0x0;
	v9 =	vld [tilespmem:$0x2480];
	v3 =	vshll.u32 v3, $0x7  }
0x18: {  	v10 =	vld [tilespmem:$0x2600];
	v5 =	vshll.u32 v4, $0x7;
	v12 =	vadd.s32 v3, v11  }
0x19: {  	v4 =	vshll.u32 v6, $0x7;
	v13 =	vadd.s32 v5, v11  }
0x1a: {  	v14 =	vld [tilespmem:$0x2500];
	v6 =	vshll.u32 v7, $0x7;
	v15 =	vadd.s32 v4, v11  }
0x1b: {  	v7 =	vshll.u32 v8, $0x7;
	v16 =	vadd.s32 v6, v11  }
0x1c: {  	v8 =	vshll.u32 v9, $0x7;
	v17 =	vadd.s32 v7, v11  }
0x1d: {  	v9 =	vshll.u32 v10, $0x7;
	v18 =	vadd.s32 v8, v11;
	v12 =	vld.idx.msk [tilespmem:v12+s2+$0x0], $0xffff  }
0x1e: {  	v21 =	vor.u32 $0x1, v11;
	v19 =	vadd.s32 v9, v11;
	v13 =	vld.idx.msk [tilespmem:v13+s2+$0x0], $0xffff  }
0x1f: {  	v10 =	vshll.u32 v14, $0x7;
	v14 =	vadd.s32 v3, v21;
	v15 =	vld.idx.msk [tilespmem:v15+s2+$0x0], $0xffff  }
0x20: {  	v20 =	vadd.s32 v10, v11;
	v16 =	vld.idx.msk [tilespmem:v16+s2+$0x0], $0xffff  }
0x21: {  	v22 =	vadd.s32 v8, v21;
	v17 =	vld.idx.msk [tilespmem:v17+s2+$0x0], $0xffff  }
0x22: {  	v23 =	vor.u32 $0x2, v11;
	v24 =	vadd.s32 v10, v21;
	v18 =	vld.idx.msk [tilespmem:v18+s2+$0x0], $0xffff  }
0x23: {  	v25 =	vadd.s32 v10, v23;
	v19 =	vld.idx.msk [tilespmem:v19+s2+$0x0], $0xffff  }
0x24: {  	v30 =	vadd.s32 v4, v21;
	v14 =	vld.idx.msk [tilespmem:v14+s2+$0x0], $0xffff  }
0x25: {  	v60 =	vor.u32 $0x3, v11;
	v34 =	vadd.s32 v6, v21;
	v28 =	vld.idx.msk [tilespmem:v20+s2+$0x0], $0xffff  }
0x26: {  	v36 =	vadd.s32 v3, v60;
	v22 =	vld.idx.msk [tilespmem:v22+s2+$0x0], $0xffff  }
0x27: {  	v40 =	vadd.s32 v8, v60;
	v24 =	vld.idx.msk [tilespmem:v24+s2+$0x0], $0xffff  }
0x28: {  	v35 =	vadd.s32 v8, v23;
	v25 =	vld.idx.msk [tilespmem:v25+s2+$0x0], $0xffff  }
0x29: {  	v29 =	vshll.u32 v11, $0x1;
	v38 =	vadd.s32 v9, v60;
	v30 =	vld.idx.msk [tilespmem:v30+s2+$0x0], $0xffff  }
0x2a: {  	v31 =	vand.u32 $0x78, v29;
	v26 =	vadd.s32 v5, v23;
	v34 =	vld.idx.msk [tilespmem:v34+s2+$0x0], $0xffff  }
0x2b: {  	v27 =	vadd.s32 v5, v21;
	v32 =	vadd.s32 v7, v23;
	v33 =	vadd.s32 v7, v21;
	v36 =	vld.idx.msk [tilespmem:v36+s2+$0x0], $0xffff  }
0x2c: {  	v41 =	vadd.s32 v7, v60;
	v20 =	vadd.s32 v2, v29;
	v29 =	vadd.s32 v0, v29;
	v40 =	vld.idx.msk [tilespmem:v40+s2+$0x0], $0xffff  }
0x2d: {  	v37 =	vadd.s32 v10, v60;
	v43 =	vadd.s32 v5, v60;
	v35 =	vld.idx.msk [tilespmem:v35+s2+$0x0], $0xffff;
	v29 =	vand.u32 $0xFFFFFF80, v29  }
0x2e: {  	v38 =	vld.idx.msk [tilespmem:v38+s2+$0x0], $0xffff;
	v29 =	vor.u32 v31, v29;
	v13 =	vadd.bf16 v13, v16;
	v12 =	vadd.bf16 v18, v12  }
0x2f: {  	v16 =	vld.idx.msk [tilespmem:v26+s2+$0x0], $0xffff;
	v18 =	vadd.s32 v9, v23;
	v15 =	vadd.bf16 v15, v19;
	v17 =	vadd.bf16 v17, v28  }
0x30: {  	v19 =	vld.idx.msk [tilespmem:v27+s2+$0x0], $0xffff;
	v26 =	vadd.s32 v9, v21;
	v27 =	vadd.s32 v3, v23;
	v28 =	vadd.s32 v6, v23  }
0x31: {  	v41 =	vld.idx.msk [tilespmem:v41+s2+$0x0], $0xffff;
	v22 =	vadd.bf16 v22, v14;
	v14 =	vadd.s32 $0x4, v11;
	v36 =	vadd.bf16 v40, v36  }
0x32: {  	v37 =	vld.idx.msk [tilespmem:v37+s2+$0x0], $0xffff;
	v61 =	vadd.s32 v5, v14;
	v13 =	vadd.bf16 v13, v15;
	v12 =	vadd.bf16 v17, v12  }
0x33: {  	v62 =	vadd.s32 v4, v14;
	v48 =	vadd.s32 v6, v14;
	v49 =	vadd.s32 v7, v14;
	v15 =	vld.idx.msk [tilespmem:v32+s2+$0x0], $0xffff  }
0x34: {  	v51 =	vadd.s32 v9, v14;
	v17 =	vadd.s32 v4, v23;
	v12 =	vadd.bf16 v13, v12;
	v13 =	vld.idx.msk [tilespmem:v33+s2+$0x0], $0xffff  }
0x35: {  	v52 =	vadd.s32 v8, v14;
	v53 =	vadd.s32 v10, v14;
	v23 =	vshll.u32 v23, $0x1;
	v39 =	vld.idx.msk [tilespmem:v18+s2+$0x0], $0xffff  }
0x36: {  	v32 =	vadd.s32 v4, v60;
	v46 =	vadd.s32 v0, v23;
	v33 =	vshll.u32 v60, $0x1;
	v28 =	vld.idx.msk [tilespmem:v28+s2+$0x0], $0xffff  }
0x37: {  	v47 =	vand.u32 $0x7C, v23;
	v18 =	vadd.s32 v6, v60;
	v11 =	vadd.s32 v0, v33;
	v26 =	vld.idx.msk [tilespmem:v26+s2+$0x0], $0xffff  }
0x38: {  	v34 =	vadd.bf16 v19, v34;
	v42 =	vmax.bf16 v12, v1;
	v44 =	vand.u32 $0xFFFFFF80, v11;
	v31 =	vld.idx.msk [tilespmem:v62+s2+$0x0], $0xffff  }
0x39: {  	v12 =	vshll.u32 v14, $0x1;
	v25 =	vadd.bf16 v15, v25;
	v19 =	vld.idx.msk [tilespmem:v17+s2+$0x0], $0xffff;
	v17 =	vshll.u32 v21, $0x1  }
0x3a: {  	v62 =	vld.idx.msk [tilespmem:v53+s2+$0x0], $0xffff;
	v15 =	vand.u32 $0x78, v12;
	v11 =	vadd.s32 v2, v12;
	v53 =	vunpack.i.u.bf16.f32 v42  }
0x3b: {  	v27 =	vld.idx.msk [tilespmem:v27+s2+$0x0], $0xffff;
	v21 =	vand.u32 $0x7A, v17;
	v45 =	vadd.s32 v0, v17;
	v24 =	vadd.bf16 v13, v24  }
0x3c: {  	v49 =	vld.idx.msk [tilespmem:v49+s2+$0x0], $0xffff;
	v13 =	vadd.s32 v0, v12;
	v12 =	vadd.s32 v2, v17;
	v17 =	vor.u32 $0x1, v14  }
0x3d: {  	v63 =	vld.idx.msk [tilespmem:v18+s2+$0x0], $0xffff;
	v18 =	vor.u32 $0x2, v14;
	v55 =	vadd.s32 v3, v17;
	v56 =	vadd.s32 v8, v17  }
0x3e: {  	v60 =	vld.idx.msk [tilespmem:v48+s2+$0x0], $0xffff;
	v26 =	vadd.bf16 v30, v26;
	v57 =	vadd.s32 v6, v17;
	v58 =	vadd.s32 v5, v17  }
0x3f: {  	v32 =	vld.idx.msk [tilespmem:v32+s2+$0x0], $0xffff;
	v50 =	vadd.bf16 v24, v22;
	v24 =	vadd.bf16 v16, v28;
	v22 =	vadd.s32 v3, v14  }
0x40: {  	v28 =	vld.idx.msk [tilespmem:v43+s2+$0x0], $0xffff;
	v16 =	vand.u32 $0xFFFFFF80, v46;
	v43 =	vadd.s32 v10, v17;
	v46 =	vadd.s32 v4, v17  }
0x41: {  	v30 =	vld.idx.msk [tilespmem:v61+s2+$0x0], $0xffff;
	v48 =	vadd.s32 v8, v18;
	v59 =	vadd.s32 v5, v18;
	v61 =	vadd.s32 v10, v18  }
0x42: {  	v62 =	vadd.bf16 v49, v62;
	v47 =	vor.u32 v47, v16;
	v39 =	vadd.bf16 v19, v39  }
0x43: {  	v16 =	vand.u32 $0xFFFFFF80, v45;
	v19 =	vadd.s32 v9, v17;
	v45 =	vld.idx.msk [tilespmem:v52+s2+$0x0], $0xffff;
	v52 =	vadd.s32 v7, v18  }
0x44: {  	v32 =	vadd.bf16 v32, v38;
	v16 =	vor.u32 v21, v16;
	v39 =	vadd.bf16 v24, v39  }
0x45: {  	v21 =	vadd.s32 v3, v18;
	v24 =	vadd.bf16 v41, v37;
	v37 =	vld.idx.msk [tilespmem:v51+s2+$0x0], $0xffff;
	v51 =	vadd.bf16 v34, v26  }
0x46: {  	v26 =	vadd.bf16 v35, v27;
	v35 =	vunpack.i.l.bf16.f32 v42;
	v34 =	vld.idx.msk [tilespmem:v55+s2+$0x0], $0xffff;
	v55 =	vadd.s32 v6, v18  }
0x47: {  	v30 =	vadd.bf16 v30, v60;
	v60 =	vadd.s32 v9, v18;
	v54 =	vld.idx.msk [tilespmem:v22+s2+$0x0], $0xffff;
	v28 =	vadd.bf16 v28, v63  }
0x48: {  	v22 =	vadd.s32 v7, v17;
	v27 =	vadd.bf16 v24, v36;
	v25 =	vadd.bf16 v25, v26;
	v63 =	vld.idx.msk [tilespmem:v56+s2+$0x0], $0xffff  }
0x49: {  	[tilespmem:v29+s9+$0x0] =	vst.idx.msk $0xffff, v35;
	v24 =	vadd.s32 v2, v33;
	v36 =	vand.u32 $0x7E, v33;
	v26 =	vld.idx.msk [tilespmem:v43+s2+$0x0], $0xffff;
	v43 =	vor.u32 $0x3, v14  }
0x4a: {  	[tilespmem:v20+s9+$0x0] =	vst.idx.msk $0xffff, v53;
	v20 =	vld.idx.msk [tilespmem:v48+s2+$0x0], $0xffff;
	v48 =	vadd.s32 v3, v43;
	v35 =	vadd.s32 v10, v43  }
0x4b: {  	v42 =	vld.idx.msk [tilespmem:v52+s2+$0x0], $0xffff;
	v38 =	vadd.s32 v6, v43;
	v41 =	vadd.s32 v7, v43;
	v28 =	vadd.bf16 v28, v32  }
0x4c: {  	v56 =	vadd.bf16 v39, v25;
	v32 =	vor.u32 v36, v44;
	v36 =	vld.idx.msk [tilespmem:v61+s2+$0x0], $0xffff;
	v39 =	vadd.s32 v4, v18  }
0x4d: {  	v25 =	vld.idx.msk [tilespmem:v59+s2+$0x0], $0xffff;
	v44 =	vadd.s32 v9, v43;
	v31 =	vadd.bf16 v31, v37;
	v28 =	vadd.bf16 v28, v27  }
0x4e: {  	v37 =	vld.idx.msk [tilespmem:v58+s2+$0x0], $0xffff;
	v27 =	vadd.s32 v2, v23;
	v29 =	vmax.bf16 v56, v1;
	v61 =	vadd.bf16 v45, v54  }
0x4f: {  	v23 =	vld.idx.msk [tilespmem:v46+s2+$0x0], $0xffff;
	v30 =	vadd.bf16 v30, v31;
	v31 =	vunpack.i.u.bf16.f32 v29;
	v33 =	vadd.bf16 v63, v34  }
0x50: {  	v40 =	vld.idx.msk [tilespmem:v55+s2+$0x0], $0xffff;
	v29 =	vunpack.i.l.bf16.f32 v29;
	v28 =	vmax.bf16 v28, v1;
	v63 =	vadd.bf16 v62, v61  }
0x51: {  	v45 =	vld.idx.msk [tilespmem:v57+s2+$0x0], $0xffff;
	[tilespmem:v47+s9+$0x0] =	vst.idx.msk $0xffff, v29;
	v47 =	vadd.s32 v8, v43;
	v46 =	vunpack.i.l.bf16.f32 v28  }
0x52: {  	s11 =	simm.s32 $0x4;
	v34 =	vld.idx.msk [tilespmem:v60+s2+$0x0], $0xffff;
	v29 =	vunpack.i.u.bf16.f32 v28;
	v49 =	vadd.bf16 v30, v63;
	v30 =	vadd.bf16 v51, v50  }
.LBB2_2:
0x53: {  	s11 =	sadd.s32 $0x4, s11;
	v22 =	vld.idx.msk [tilespmem:v22+s2+$0x0], $0xffff;
	v28 =	vshll.u32 v18, $0x1;
	v50 =	vshll.u32 v43, $0x1;
	v14 =	vadd.s32 $0x4, v14;
	[tilespmem:v32+s9+$0x0] =	vst.idx.msk $0xffff, v46  }
0x54: {  	v32 =	vmax.bf16 v49, v1;
	v18 =	vadd.s32 v5, v43;
	p0 =	slt.u32 s11, $0x7C;
	v46 =	vld.idx.msk [tilespmem:v48+s2+$0x0], $0xffff;
	v48 =	vadd.s32 v0, v50  }
0x55: {  	v36 =	vadd.bf16 v42, v36;
	v42 =	vadd.s32 v4, v43;
	v30 =	vmax.bf16 v30, v1;
	v39 =	vld.idx.msk [tilespmem:v39+s2+$0x0], $0xffff  }
0x56: {  	v37 =	vadd.bf16 v37, v45;
	v45 =	vand.u32 $0xFFFFFF80, v48;
	v43 =	vld.idx.msk [tilespmem:v21+s2+$0x0], $0xffff;
	v21 =	vunpack.i.u.bf16.f32 v30;
	[tilespmem:v24+s9+$0x0] =	vst.idx.msk $0xffff, v29  }
0x57: {  	v17 =	vshll.u32 v17, $0x1;
	v24 =	vshll.u32 v14, $0x1;
	v30 =	vunpack.i.l.bf16.f32 v30;
	v19 =	vld.idx.msk [tilespmem:v19+s2+$0x0], $0xffff;
	[tilespmem:v27+s9+$0x0] =	vst.idx.msk $0xffff, v31  }
0x58: {  	v27 =	vand.u32 $0x78, v24;
	v29 =	vadd.s32 v2, v24;
	v31 =	vand.u32 $0x7A, v17;
	v44 =	vld.idx.msk [tilespmem:v44+s2+$0x0], $0xffff;
	[tilespmem:v16+s9+$0x0] =	vst.idx.msk $0xffff, v30  }
0x59: {  	v16 =	vadd.bf16 v22, v26;
	v22 =	vadd.s32 v0, v17;
	v26 =	vadd.s32 v0, v28;
	v47 =	vld.idx.msk [tilespmem:v47+s2+$0x0], $0xffff  }
0x5a: {  	v48 =	vand.u32 $0xFFFFFF80, v13;
	v13 =	vadd.s32 v0, v24;
	v24 =	vand.u32 $0x7C, v28;
	v49 =	vld.idx.msk [tilespmem:v18+s2+$0x0], $0xffff;
	[tilespmem:v12+s9+$0x0] =	vst.idx.msk $0xffff, v21  }
0x5b: {  	v25 =	vadd.bf16 v25, v40;
	v30 =	vadd.bf16 v16, v33;
	v12 =	vadd.s32 v2, v17;
	v33 =	vld.idx.msk [tilespmem:v42+s2+$0x0], $0xffff  }
0x5c: {  	v40 =	vadd.s32 v5, v14;
	v21 =	vadd.s32 v3, v14;
	v16 =	vand.u32 $0xFFFFFF80, v26;
	v26 =	vld.idx.msk [tilespmem:v41+s2+$0x0], $0xffff  }
0x5d: {  	v42 =	vadd.s32 v6, v14;
	v51 =	vor.u32 v24, v16;
	v41 =	vadd.s32 v4, v14;
	v24 =	vld.idx.msk [tilespmem:v38+s2+$0x0], $0xffff  }
0x5e: {  	v52 =	vadd.s32 v9, v14;
	v16 =	vand.u32 $0xFFFFFF80, v22;
	v38 =	vadd.s32 v7, v14;
	v35 =	vld.idx.msk [tilespmem:v35+s2+$0x0], $0xffff  }
0x5f: {  	v53 =	vadd.s32 v8, v14;
	v54 =	vadd.s32 v10, v14;
	v16 =	vor.u32 v31, v16  }
0x60: {  	v17 =	vor.u32 $0x1, v14;
	v18 =	vor.u32 $0x2, v14;
	v31 =	vadd.bf16 v39, v34  }
0x61: {  	v55 =	vadd.s32 v8, v17;
	v39 =	vadd.s32 v3, v17;
	v23 =	vadd.bf16 v23, v19;
	v34 =	vld.idx.msk [tilespmem:v21+s2+$0x0], $0xffff  }
0x62: {  	v48 =	vor.u32 v15, v48;
	v56 =	vadd.s32 v10, v17;
	v22 =	vadd.s32 v7, v17;
	v40 =	vld.idx.msk [tilespmem:v40+s2+$0x0], $0xffff  }
0x63: {  	v57 =	vadd.s32 v4, v17;
	v19 =	vadd.s32 v9, v17;
	v15 =	vadd.bf16 v47, v46;
	v41 =	vld.idx.msk [tilespmem:v41+s2+$0x0], $0xffff  }
0x64: {  	v46 =	vadd.s32 v8, v18;
	v25 =	vadd.bf16 v25, v31;
	v21 =	vadd.s32 v3, v18;
	v42 =	vld.idx.msk [tilespmem:v42+s2+$0x0], $0xffff  }
0x65: {  	v47 =	vadd.s32 v5, v17;
	v49 =	vadd.bf16 v49, v24;
	v31 =	vld.idx.msk [tilespmem:v38+s2+$0x0], $0xffff;
	v38 =	vadd.s32 v6, v17  }
0x66: {  	v58 =	vadd.s32 v7, v18;
	v59 =	vadd.s32 v5, v18;
	v24 =	vadd.bf16 v26, v35;
	v53 =	vld.idx.msk [tilespmem:v53+s2+$0x0], $0xffff  }
0x67: {  	v20 =	vadd.bf16 v20, v43;
	v60 =	vadd.bf16 v37, v23;
	v35 =	vld.idx.msk [tilespmem:v52+s2+$0x0], $0xffff;
	v52 =	vadd.s32 v10, v18  }
0x68: {  	v23 =	vunpack.i.l.bf16.f32 v32;
	v26 =	vadd.bf16 v33, v44;
	v37 =	vadd.bf16 v24, v15;
	v15 =	vmovc v27;
	v43 =	vld.idx.msk [tilespmem:v39+s2+$0x0], $0xffff  }
0x69: {  	v20 =	vadd.bf16 v36, v20;
	v44 =	vunpack.i.u.bf16.f32 v32;
	v24 =	vadd.s32 v2, v50;
	v33 =	vld.idx.msk [tilespmem:v54+s2+$0x0], $0xffff  }
0x6a: {  	v32 =	vand.u32 $0x7E, v50;
	v27 =	vadd.bf16 v49, v26;
	v54 =	vld.idx.msk [tilespmem:v55+s2+$0x0], $0xffff;
	v55 =	vadd.s32 v6, v18  }
0x6b: {  	v20 =	vadd.bf16 v25, v20;
	v32 =	vor.u32 v32, v45;
	v40 =	vadd.bf16 v40, v42;
	v26 =	vld.idx.msk [tilespmem:v56+s2+$0x0], $0xffff  }
0x6c: {  	v50 =	vadd.s32 v9, v18;
	v39 =	vadd.s32 v4, v18;
	v42 =	vadd.bf16 v27, v37;
	v36 =	vld.idx.msk [tilespmem:v52+s2+$0x0], $0xffff  }
0x6d: {  	v27 =	vadd.s32 v2, v28;
	v34 =	vadd.bf16 v53, v34;
	v35 =	vadd.bf16 v41, v35;
	v25 =	vld.idx.msk [tilespmem:v59+s2+$0x0], $0xffff  }
0x6e: {  	v20 =	vmax.bf16 v20, v1;
	v28 =	vmax.bf16 v42, v1;
	v37 =	vld.idx.msk [tilespmem:v47+s2+$0x0], $0xffff;
	[tilespmem:v48+s9+$0x0] =	vst.idx.msk $0xffff, v23  }
0x6f: {  	v41 =	vadd.bf16 v31, v33;
	v40 =	vadd.bf16 v40, v35;
	v31 =	vunpack.i.u.bf16.f32 v20;
	v23 =	vld.idx.msk [tilespmem:v57+s2+$0x0], $0xffff  }
.Ltmp0:
0x70: {  	v47 =	vunpack.i.l.bf16.f32 v20;
	v33 =	vadd.bf16 v54, v43;
	v43 =	vor.u32 $0x3, v14;
	v42 =	vld.idx.msk [tilespmem:v58+s2+$0x0], $0xffff;
	[tilespmem:v11+s9+$0x0] =	vst.idx.msk $0xffff, v44;
	(pc) =	sbr.rel @p0 .LBB2_2-.Ltmp0, $4  }
0x71: {  	v34 =	vadd.bf16 v41, v34;
	v48 =	vadd.s32 v3, v43;
	v20 =	vld.idx.msk [tilespmem:v46+s2+$0x0], $0xffff;
	[tilespmem:v51+s9+$0x0] =	vst.idx.msk $0xffff, v47  }
0x72: {  	v35 =	vadd.s32 v10, v43;
	v44 =	vadd.s32 v9, v43;
	v11 =	vmovc v29;
	v46 =	vunpack.i.l.bf16.f32 v28;
	v45 =	vld.idx.msk [tilespmem:v38+s2+$0x0], $0xffff  }
0x73: {  	v29 =	vunpack.i.u.bf16.f32 v28;
	v49 =	vadd.bf16 v40, v34;
	v38 =	vadd.s32 v6, v43;
	v34 =	vld.idx.msk [tilespmem:v50+s2+$0x0], $0xffff  }
0x74: {  	v30 =	vadd.bf16 v60, v30;
	v41 =	vadd.s32 v7, v43;
	v47 =	vadd.s32 v8, v43;
	v40 =	vld.idx.msk [tilespmem:v55+s2+$0x0], $0xffff  }
0x75: {  	_ =	sdelay $0x3  }
0x76: {  	v3 =	vld.idx.msk [tilespmem:v22+s2+$0x0], $0xffff  }
0x77: {  	v6 =	vld.idx.msk [tilespmem:v48+s2+$0x0], $0xffff  }
0x78: {  	v7 =	vld.idx.msk [tilespmem:v39+s2+$0x0], $0xffff  }
0x79: {  	v8 =	vld.idx.msk [tilespmem:v21+s2+$0x0], $0xffff  }
0x7a: {  	v5 =	vadd.s32 v5, v43;
	v4 =	vadd.s32 v4, v43;
	v9 =	vld.idx.msk [tilespmem:v19+s2+$0x0], $0xffff  }
0x7b: {  	v10 =	vld.idx.msk [tilespmem:v44+s2+$0x0], $0xffff;
	v18 =	vshll.u32 v18, $0x1;
	v57 =	vshll.u32 v43, $0x1;
	v58 =	vmax.bf16 v49, v1  }
0x7c: {  	v14 =	vld.idx.msk [tilespmem:v47+s2+$0x0], $0xffff;
	v28 =	vadd.bf16 v42, v36;
	v17 =	vshll.u32 v17, $0x1;
	v13 =	vand.u32 $0xFFFFFF80, v13  }
0x7d: {  	v61 =	vld.idx.msk [tilespmem:v41+s2+$0x0], $0xffff;
	v59 =	vadd.s32 v0, v57;
	v30 =	vmax.bf16 v30, v1;
	v44 =	vand.u32 $0x7A, v17  }
0x7e: {  	v63 =	vld.idx.msk [tilespmem:v38+s2+$0x0], $0xffff;
	v47 =	vadd.s32 v0, v18;
	v48 =	vand.u32 $0x7C, v18;
	v13 =	vor.u32 v15, v13  }
0x7f: {  	v35 =	vld.idx.msk [tilespmem:v35+s2+$0x0], $0xffff;
	[tilespmem:v32+s9+$0x0] =	vst.idx.msk $0xffff, v46;
	v53 =	vand.u32 $0x7E, v57;
	v54 =	vunpack.i.l.bf16.f32 v58;
	v55 =	vadd.s32 v2, v57  }
0x80: {  	[tilespmem:v27+s9+$0x0] =	vst.idx.msk $0xffff, v31;
	v57 =	vadd.s32 v2, v18;
	v60 =	vadd.bf16 v37, v45;
	v62 =	vunpack.i.u.bf16.f32 v30  }
0x81: {  	v30 =	vunpack.i.l.bf16.f32 v30;
	v25 =	vadd.bf16 v25, v40;
	v5 =	vld.idx.msk [tilespmem:v5+s2+$0x0], $0xffff;
	v3 =	vadd.bf16 v3, v26  }
0x82: {  	v45 =	vadd.s32 v0, v17;
	v4 =	vld.idx.msk [tilespmem:v4+s2+$0x0], $0xffff;
	v7 =	vadd.bf16 v7, v34;
	v8 =	vadd.bf16 v20, v8  }
0x83: {  	[tilespmem:v24+s9+$0x0] =	vst.idx.msk $0xffff, v29;
	v49 =	vand.u32 $0xFFFFFF80, v47;
	v9 =	vadd.bf16 v23, v9;
	v6 =	vadd.bf16 v14, v6  }
0x84: {  	v50 =	vor.u32 v48, v49;
	v7 =	vadd.bf16 v25, v7;
	v8 =	vadd.bf16 v28, v8  }
0x85: {  	v56 =	vunpack.i.u.bf16.f32 v58;
	[tilespmem:v16+s9+$0x0] =	vst.idx.msk $0xffff, v30;
	v51 =	vadd.bf16 v61, v35;
	v3 =	vadd.bf16 v3, v33  }
0x86: {  	v52 =	vand.u32 $0xFFFFFF80, v45;
	[tilespmem:v12+s9+$0x0] =	vst.idx.msk $0xffff, v62;
	v9 =	vadd.bf16 v60, v9;
	v7 =	vadd.bf16 v7, v8  }
0x87: {  	v58 =	vor.u32 v44, v52;
	v5 =	vadd.bf16 v5, v63;
	v4 =	vadd.bf16 v4, v10  }
0x88: {  	v22 =	vand.u32 $0xFFFFFF80, v59;
	[tilespmem:v13+s9+$0x0] =	vst.idx.msk $0xffff, v54;
	v6 =	vadd.bf16 v51, v6;
	v3 =	vadd.bf16 v9, v3  }
0x89: {  	v60 =	vadd.s32 v2, v17;
	v7 =	vmax.bf16 v7, v1;
	v4 =	vadd.bf16 v5, v4  }
0x8a: {  	[tilespmem:v11+s9+$0x0] =	vst.idx.msk $0xffff, v56;
	v3 =	vmax.bf16 v3, v1;
	v5 =	vor.u32 v53, v22;
	v59 =	vunpack.i.l.bf16.f32 v7  }
0x8b: {  	v63 =	vunpack.i.l.bf16.f32 v3;
	[tilespmem:v50+s9+$0x0] =	vst.idx.msk $0xffff, v59;
	v4 =	vadd.bf16 v4, v6  }
0x8c: {  	v62 =	vunpack.i.u.bf16.f32 v7;
	[tilespmem:v58+s9+$0x0] =	vst.idx.msk $0xffff, v63  }
0x8d: {  	v3 =	vunpack.i.u.bf16.f32 v3;
	[tilespmem:v57+s9+$0x0] =	vst.idx.msk $0xffff, v62;
	v4 =	vmax.bf16 v4, v1  }
0x8e: {  	s10 =	sadd.s32 $0x1, s10;
	[tilespmem:v60+s9+$0x0] =	vst.idx.msk $0xffff, v3;
	v61 =	vunpack.i.l.bf16.f32 v4  }
0x8f: {  	p0 =	sne.s32 s10, s6;
	v4 =	vunpack.i.u.bf16.f32 v4;
	[tilespmem:v5+s9+$0x0] =	vst.idx.msk $0xffff, v61  }
.Ltmp1:
0x90: {  	[tilespmem:v55+s9+$0x0] =	vst.idx.msk $0xffff, v4;
	(pc) =	sbr.rel @p0 .LBB2_1-.Ltmp1, $4  }
0x91: {  	[hbm4b:s5+s2] =	stream.linear.scatter [tilespmem:s9], [sflag:$0x1], $0x1000, $0x38;
	[tilespmem:$0x3800] =	vst v63  }
0x92: {  	_ =	swait.ge [sflag:s7], $0x1000  }
0x93: {  	[sflag:s7] =	ssyncset.done $0x0  }
0x94: {  	[sflag:s7] =	ssyncadd.s32 $0xFFFFF000  }
0x95: {  	_ =	sfence.sel $0x180000  }
0x96: {  	[bflag:$0x0] =	sbarrier.arrive $0xFFFF  }
0x97: {  	p0 =	sne.s32 s0, $0x0;
	_ =	strace $0x90000047  }
0x98: {  	s0 =	sadd.s32 @!p0 $0x100000, s1;
	[bflag:$0x2] =	sbarrier.arrive $0xFFFF  }
0x99: {  	[sflag:s0] =	ssyncadd.tile.s32 @!p0 $0x1;
	_ =	shalt  }
.Lfunc_end2:
_tile_overlayer_lowered:
.L_overlay_start_2:
0x9a: {  	(tag) =	ssettag $0x2  }
0x9b: {  	s0 =	rddreg [dreg:$0x0];
	s2 =	stileid.u32  }
0x9c: {  	s1 =	rddreg [dreg:$0x1];
	p0 =	sne.s32 s2, $0x0  }
0x9d: {  	s3 =	rddreg [dreg:$0x2];
	[bflag:$0x3] =	sbarrier.arrive $0xFFFF;
	s2 =	simm.s32 @!p0 $0x1C01  }
0x9e: {  	[timem:s3], [sflag:s2] =	dma.local @!p0 [hbm:s0], s1  }
0x9f: {  	s0 =	simm.s32 @!p0 $0x1  }
0xa0: {  	_ =	swait.ge @!p0 [sflag:s0], s1  }
0xa1: {  	s1 =	ssub.s32 @!p0 $0x0, s1;
	[sflag:s0] =	ssyncset.done @!p0 $0x0  }
0xa2: {  	[sflag:s0] =	ssyncadd.s32 @!p0 s1  }
0xa3: {  	[bflag:$0x3] =	sbarrier.arrive $0xFFFF  }
0xa4: {  	_ =	shalt  }

</sc_bundles>
